<compile_context>
chip_gen: v7x
topology: tpu7x:2x2x1
jax: 0.10.2.dev20260603
libtpu: 0.0.44.dev20260713+nightly
codegen_flags: <defaults>
</compile_context>

<pallas_src>
import functools

import jax
import jax.numpy as jnp
from jax import lax
from jax.experimental import pallas as pl
from jax.experimental.pallas import tpu as pltpu, tpu_sc as plsc

N = 16777216
_INFO = plsc.get_sparse_core_info()
NC = _INFO.num_cores
NS = _INFO.num_subcores
L = _INFO.num_lanes
NW = NC * NS
PER_W = N // NW
CHUNK = 8192
NCHUNK = PER_W // CHUNK
DEPTH = 4

_mesh = plsc.VectorSubcoreMesh(core_axis_name="c", subcore_axis_name="s")


@functools.partial(
    pl.kernel,
    out_type=jax.ShapeDtypeStruct((N,), jnp.float32),
    mesh=_mesh,
    scratch_types=[
        [pltpu.VMEM((CHUNK,), jnp.float32) for _ in range(DEPTH)],
        [pltpu.VMEM((CHUNK,), jnp.float32) for _ in range(DEPTH)],
        [pltpu.VMEM((2 * CHUNK,), jnp.float32) for _ in range(2)],
        [pltpu.SemaphoreType.DMA for _ in range(DEPTH)],
        [pltpu.SemaphoreType.DMA for _ in range(DEPTH)],
        [pltpu.SemaphoreType.DMA for _ in range(2)],
    ],
)
def _mod_add_sc(a_hbm, b_hbm, out_hbm, a_bufs, b_bufs, o_bufs,
                ina_sems, inb_sems, out_sems):
    wid = lax.axis_index("s") * NC + lax.axis_index("c")
    base = wid * PER_W

    def start_in(c, s):
        off = base + c * CHUNK
        pltpu.make_async_copy(
            a_hbm.at[pl.ds(off, CHUNK)], a_bufs[s], ina_sems[s]).start()
        pltpu.make_async_copy(
            b_hbm.at[pl.ds(off, CHUNK)], b_bufs[s], inb_sems[s]).start()

    def wait_in(s):
        pltpu.make_async_copy(
            a_hbm.at[pl.ds(base, CHUNK)], a_bufs[s], ina_sems[s]).wait()
        pltpu.make_async_copy(
            b_hbm.at[pl.ds(base, CHUNK)], b_bufs[s], inb_sems[s]).wait()

    def start_out(q, t):
        off = base + q * 2 * CHUNK
        pltpu.make_async_copy(
            o_bufs[t], out_hbm.at[pl.ds(off, 2 * CHUNK)], out_sems[t]).start()

    def wait_out(t):
        pltpu.make_async_copy(
            o_bufs[t], out_hbm.at[pl.ds(base, 2 * CHUNK)], out_sems[t]).wait()

    for s in range(DEPTH - 1):
        start_in(s, s)

    def ring_body(p, carry):
        for s in range(DEPTH):
            c = p * DEPTH + s

            @pl.when(c + DEPTH - 1 < NCHUNK)
            def _():
                start_in(c + DEPTH - 1, (s + DEPTH - 1) % DEPTH)

            wait_in(s)

            t = (s // 2) % 2
            half = (s % 2) * CHUNK

            if s % 2 == 0:
                @pl.when(p >= 1)
                def _():
                    wait_out(t)

            a_buf, b_buf, o_buf = a_bufs[s], b_bufs[s], o_bufs[t]

            @plsc.parallel_loop(0, CHUNK, step=L, unroll=8)
            def _(j):
                av = a_buf[pl.ds(j, L)]
                bv = b_buf[pl.ds(j, L)]
                v = av + bv
                v = jnp.where(v >= 256.0, v - 256.0, v)
                v = jnp.where(v >= 256.0, v - 256.0, v)
                o_buf[pl.ds(j + half, L)] = v

            if s % 2 == 1:
                start_out(p * 2 + s // 2, t)
        return carry

    lax.fori_loop(0, NCHUNK // DEPTH, ring_body, 0)
    for t in range(2):
        wait_out(t)


def kernel(a, b):
    out = _mod_add_sc(a, b)
    return out[:, None]

# --- scband reference (transcript-rebuilt; emitter-appended) ---
"""Pipeline reference for scband-spline-adc-51934744543439 (READ-ONLY COPY).

The authoritative reference and input builder live on the scoring server;
editing this copy changes nothing except your own understanding.
"""

import jax, jax.numpy as jnp
import numpy as np

N = 16777216

def setup_inputs(seed: int = 0) -> dict:
    key = jax.random.key(seed)
    k1, k2 = jax.random.split(key)
    # byte values in [0, 256) as float32, matching the torch harness' rand fill scaled to 256
    a = jax.random.uniform(k1, (N,), dtype=jnp.float32, minval=0.0, maxval=256.0)
    b = jax.random.uniform(k2, (N,), dtype=jnp.float32, minval=0.0, maxval=256.0)
    return {"a": a, "b": b}

def reference(a, b):
    # Faithful translation of SplineADC.forward (return_carry=False).
    # Note: idx_a/idx_b are computed in the torch forward but never used; the
    # actual math is just modular addition.
    a = a.reshape(-1).astype(jnp.float32)
    b = b.reshape(-1).astype(jnp.float32)
    raw_sum = a + b
    result = jnp.mod(raw_sum, 256.0)
    return result[:, None]

if __name__ == "__main__":
    import jax
    _d = setup_inputs()
    print(jax.jit(kernel)(*tuple(_d.values())))

</pallas_src>

<mosaic_0001>
#map = affine_map<(d0, d1) -> (0)>
module attributes {stable_mosaic.version = 14 : i64} {
  func.func @_mod_add_sc(%arg0: i32, %arg1: i32, %arg2: memref<16777216xf32, #tpu.memory_space<hbm>>, %arg3: memref<16777216xf32, #tpu.memory_space<hbm>>, %arg4: memref<16777216xf32, #tpu.memory_space<hbm>>, %arg5: memref<8192xf32, #tpu.memory_space<vmem>>, %arg6: memref<8192xf32, #tpu.memory_space<vmem>>, %arg7: memref<8192xf32, #tpu.memory_space<vmem>>, %arg8: memref<8192xf32, #tpu.memory_space<vmem>>, %arg9: memref<8192xf32, #tpu.memory_space<vmem>>, %arg10: memref<8192xf32, #tpu.memory_space<vmem>>, %arg11: memref<8192xf32, #tpu.memory_space<vmem>>, %arg12: memref<8192xf32, #tpu.memory_space<vmem>>, %arg13: memref<16384xf32, #tpu.memory_space<vmem>>, %arg14: memref<16384xf32, #tpu.memory_space<vmem>>, %arg15: memref<!tpu.dma_semaphore, #tpu.memory_space<semaphore_mem>>, %arg16: memref<!tpu.dma_semaphore, #tpu.memory_space<semaphore_mem>>, %arg17: memref<!tpu.dma_semaphore, #tpu.memory_space<semaphore_mem>>, %arg18: memref<!tpu.dma_semaphore, #tpu.memory_space<semaphore_mem>>, %arg19: memref<!tpu.dma_semaphore, #tpu.memory_space<semaphore_mem>>, %arg20: memref<!tpu.dma_semaphore, #tpu.memory_space<semaphore_mem>>, %arg21: memref<!tpu.dma_semaphore, #tpu.memory_space<semaphore_mem>>, %arg22: memref<!tpu.dma_semaphore, #tpu.memory_space<semaphore_mem>>, %arg23: memref<!tpu.dma_semaphore, #tpu.memory_space<semaphore_mem>>, %arg24: memref<!tpu.dma_semaphore, #tpu.memory_space<semaphore_mem>>) attributes {dimension_semantics = [#tpu.dimension_semantics<core_parallel>, #tpu.dimension_semantics<subcore_parallel>], iteration_bounds = array<i64: 2, 16>, scalar_prefetch = 0 : i64, scratch_operands = 20 : i64, tpu.core_type = #tpu.core_type<sc_vector_subcore>, window_params = [{transform_indices = #map}, {transform_indices = #map}, {transform_indices = #map}]} {
    %mul3A = arith.constant 2 : i32
    %mul3A_0 = arith.muli %arg1, %mul3A : i32
    %add3A = arith.addi %mul3A_0, %arg0 : i32
    %mul3A_1 = arith.constant 524288 : i32
    %mul3A_2 = arith.muli %add3A, %mul3A_1 : i32
    %add3A_3 = arith.constant 0 : i32
    %add3A_4 = arith.addi %mul3A_2, %add3A_3 : i32
    %dma_start3A = tpu.memref_slice %arg2[%add3A_4] : memref<16777216xf32, #tpu.memory_space<hbm>> -> memref<8192xf32, #tpu.memory_space<hbm>>
    %dma_start3A_5 = tpu.memref_slice %arg2[%add3A_4] : memref<16777216xf32, #tpu.memory_space<hbm>> -> memref<8192xf32, #tpu.memory_space<hbm>>
    tpu.enqueue_dma source(%dma_start3A_5 : memref<8192xf32, #tpu.memory_space<hbm>>) target(%arg5 : memref<8192xf32, #tpu.memory_space<vmem>>) target_semaphore(%arg15 : memref<!tpu.dma_semaphore, #tpu.memory_space<semaphore_mem>>)
    %dma_start3A_6 = tpu.memref_slice %arg3[%add3A_4] : memref<16777216xf32, #tpu.memory_space<hbm>> -> memref<8192xf32, #tpu.memory_space<hbm>>
    %dma_start3A_7 = tpu.memref_slice %arg3[%add3A_4] : memref<16777216xf32, #tpu.memory_space<hbm>> -> memref<8192xf32, #tpu.memory_space<hbm>>
    tpu.enqueue_dma source(%dma_start3A_7 : memref<8192xf32, #tpu.memory_space<hbm>>) target(%arg9 : memref<8192xf32, #tpu.memory_space<vmem>>) target_semaphore(%arg19 : memref<!tpu.dma_semaphore, #tpu.memory_space<semaphore_mem>>)
    %add3A_8 = arith.constant 8192 : i32
    %add3A_9 = arith.addi %mul3A_2, %add3A_8 : i32
    %dma_start3A_10 = tpu.memref_slice %arg2[%add3A_9] : memref<16777216xf32, #tpu.memory_space<hbm>> -> memref<8192xf32, #tpu.memory_space<hbm>>
    %dma_start3A_11 = tpu.memref_slice %arg2[%add3A_9] : memref<16777216xf32, #tpu.memory_space<hbm>> -> memref<8192xf32, #tpu.memory_space<hbm>>
    tpu.enqueue_dma source(%dma_start3A_11 : memref<8192xf32, #tpu.memory_space<hbm>>) target(%arg6 : memref<8192xf32, #tpu.memory_space<vmem>>) target_semaphore(%arg16 : memref<!tpu.dma_semaphore, #tpu.memory_space<semaphore_mem>>)
    %dma_start3A_12 = tpu.memref_slice %arg3[%add3A_9] : memref<16777216xf32, #tpu.memory_space<hbm>> -> memref<8192xf32, #tpu.memory_space<hbm>>
    %dma_start3A_13 = tpu.memref_slice %arg3[%add3A_9] : memref<16777216xf32, #tpu.memory_space<hbm>> -> memref<8192xf32, #tpu.memory_space<hbm>>
    tpu.enqueue_dma source(%dma_start3A_13 : memref<8192xf32, #tpu.memory_space<hbm>>) target(%arg10 : memref<8192xf32, #tpu.memory_space<vmem>>) target_semaphore(%arg20 : memref<!tpu.dma_semaphore, #tpu.memory_space<semaphore_mem>>)
    %add3A_14 = arith.constant 16384 : i32
    %add3A_15 = arith.addi %mul3A_2, %add3A_14 : i32
    %dma_start3A_16 = tpu.memref_slice %arg2[%add3A_15] : memref<16777216xf32, #tpu.memory_space<hbm>> -> memref<8192xf32, #tpu.memory_space<hbm>>
    %dma_start3A_17 = tpu.memref_slice %arg2[%add3A_15] : memref<16777216xf32, #tpu.memory_space<hbm>> -> memref<8192xf32, #tpu.memory_space<hbm>>
    tpu.enqueue_dma source(%dma_start3A_17 : memref<8192xf32, #tpu.memory_space<hbm>>) target(%arg7 : memref<8192xf32, #tpu.memory_space<vmem>>) target_semaphore(%arg17 : memref<!tpu.dma_semaphore, #tpu.memory_space<semaphore_mem>>)
    %dma_start3A_18 = tpu.memref_slice %arg3[%add3A_15] : memref<16777216xf32, #tpu.memory_space<hbm>> -> memref<8192xf32, #tpu.memory_space<hbm>>
    %dma_start3A_19 = tpu.memref_slice %arg3[%add3A_15] : memref<16777216xf32, #tpu.memory_space<hbm>> -> memref<8192xf32, #tpu.memory_space<hbm>>
    tpu.enqueue_dma source(%dma_start3A_19 : memref<8192xf32, #tpu.memory_space<hbm>>) target(%arg11 : memref<8192xf32, #tpu.memory_space<vmem>>) target_semaphore(%arg21 : memref<!tpu.dma_semaphore, #tpu.memory_space<semaphore_mem>>)
    %scan3A = arith.constant 0 : i32
    %scan3A_20 = arith.constant 0 : i32
    %scan3A_21 = arith.constant 16 : i32
    %scan3A_22 = arith.addi %scan3A_20, %scan3A_21 : i32
    %scan3A_23 = arith.constant 1 : i32
    scf.for %scan3A_28 = %scan3A_20 to %scan3A_22 step %scan3A_23  : i32 {
      %mul3A_29 = arith.constant 4 : i32
      %mul3A_30 = arith.muli %scan3A_28, %mul3A_29 : i32
      %add3A_31 = arith.constant 0 : i32
      %add3A_32 = arith.addi %mul3A_30, %add3A_31 : i32
      %add3A_33 = arith.constant 4 : i32
      %add3A_34 = arith.addi %add3A_32, %add3A_33 : i32
      %sub3A = arith.constant 1 : i32
      %sub3A_35 = arith.subi %add3A_34, %sub3A : i32
      %lt3A = arith.constant 64 : i32
      %lt3A_36 = arith.cmpi slt, %sub3A_35, %lt3A : i32
      %convert_element_type3A = arith.extui %lt3A_36 : i1 to i32
      %cond3A = arith.constant 0 : i32
      %cond3A_37 = arith.cmpi ne, %convert_element_type3A, %cond3A : i32
      scf.if %cond3A_37 {
        %add3A_135 = arith.constant 4 : i32
        %add3A_136 = arith.addi %add3A_32, %add3A_135 : i32
        %sub3A_137 = arith.constant 1 : i32
        %sub3A_138 = arith.subi %add3A_136, %sub3A_137 : i32
        %mul3A_139 = arith.constant 8192 : i32
        %mul3A_140 = arith.muli %sub3A_138, %mul3A_139 : i32
        %add3A_141 = arith.addi %mul3A_2, %mul3A_140 : i32
        %dma_start3A_142 = tpu.memref_slice %arg2[%add3A_141] : memref<16777216xf32, #tpu.memory_space<hbm>> -> memref<8192xf32, #tpu.memory_space<hbm>>
        %dma_start3A_143 = tpu.memref_slice %arg2[%add3A_141] : memref<16777216xf32, #tpu.memory_space<hbm>> -> memref<8192xf32, #tpu.memory_space<hbm>>
        tpu.enqueue_dma source(%dma_start3A_143 : memref<8192xf32, #tpu.memory_space<hbm>>) target(%arg8 : memref<8192xf32, #tpu.memory_space<vmem>>) target_semaphore(%arg18 : memref<!tpu.dma_semaphore, #tpu.memory_space<semaphore_mem>>)
        %dma_start3A_144 = tpu.memref_slice %arg3[%add3A_141] : memref<16777216xf32, #tpu.memory_space<hbm>> -> memref<8192xf32, #tpu.memory_space<hbm>>
        %dma_start3A_145 = tpu.memref_slice %arg3[%add3A_141] : memref<16777216xf32, #tpu.memory_space<hbm>> -> memref<8192xf32, #tpu.memory_space<hbm>>
        tpu.enqueue_dma source(%dma_start3A_145 : memref<8192xf32, #tpu.memory_space<hbm>>) target(%arg12 : memref<8192xf32, #tpu.memory_space<vmem>>) target_semaphore(%arg22 : memref<!tpu.dma_semaphore, #tpu.memory_space<semaphore_mem>>)
      } else {
      }
      %dma_wait3A_38 = tpu.memref_slice %arg2[%mul3A_2] : memref<16777216xf32, #tpu.memory_space<hbm>> -> memref<8192xf32, #tpu.memory_space<hbm>>
      %dma_wait3A_39 = tpu.memref_slice %arg2[%mul3A_2] : memref<16777216xf32, #tpu.memory_space<hbm>> -> memref<8192xf32, #tpu.memory_space<hbm>>
      tpu.wait_dma2 semaphore(%arg15 : memref<!tpu.dma_semaphore, #tpu.memory_space<semaphore_mem>>) src(%dma_wait3A_39 : memref<8192xf32, #tpu.memory_space<hbm>>) dst(%arg5 : memref<8192xf32, #tpu.memory_space<vmem>>)
      %dma_wait3A_40 = tpu.memref_slice %arg3[%mul3A_2] : memref<16777216xf32, #tpu.memory_space<hbm>> -> memref<8192xf32, #tpu.memory_space<hbm>>
      %dma_wait3A_41 = tpu.memref_slice %arg3[%mul3A_2] : memref<16777216xf32, #tpu.memory_space<hbm>> -> memref<8192xf32, #tpu.memory_space<hbm>>
      tpu.wait_dma2 semaphore(%arg19 : memref<!tpu.dma_semaphore, #tpu.memory_space<semaphore_mem>>) src(%dma_wait3A_41 : memref<8192xf32, #tpu.memory_space<hbm>>) dst(%arg9 : memref<8192xf32, #tpu.memory_space<vmem>>)
      %ge3A = arith.constant 1 : i32
      %ge3A_42 = arith.cmpi sge, %scan3A_28, %ge3A : i32
      %convert_element_type3A_43 = arith.extui %ge3A_42 : i1 to i32
      %cond3A_44 = arith.constant 0 : i32
      %cond3A_45 = arith.cmpi ne, %convert_element_type3A_43, %cond3A_44 : i32
      scf.if %cond3A_45 {
        %dma_wait3A_135 = tpu.memref_slice %arg4[%mul3A_2] : memref<16777216xf32, #tpu.memory_space<hbm>> -> memref<16384xf32, #tpu.memory_space<hbm>>
        %dma_wait3A_136 = tpu.memref_slice %arg4[%mul3A_2] : memref<16777216xf32, #tpu.memory_space<hbm>> -> memref<16384xf32, #tpu.memory_space<hbm>>
        tpu.wait_dma2 semaphore(%arg23 : memref<!tpu.dma_semaphore, #tpu.memory_space<semaphore_mem>>) src(%arg13 : memref<16384xf32, #tpu.memory_space<vmem>>) dst(%dma_wait3A_136 : memref<16384xf32, #tpu.memory_space<hbm>>)
      } else {
      }
      %parallel_loop3A = arith.constant 0 : i32
      %parallel_loop3A_46 = arith.constant 8192 : i32
      %parallel_loop3A_47 = arith.constant 16 : i32
      scf.for %parallel_loop3A_135 = %parallel_loop3A to %parallel_loop3A_46 step %parallel_loop3A_47  : i32 {
        %parallel_loop3A_136 = arith.index_cast %parallel_loop3A_135 : i32 to index
        %parallel_loop3A_137 = tpu.vector_load %arg5[%parallel_loop3A_136] {strides = array<i32>} : memref<8192xf32, #tpu.memory_space<vmem>>, vector<16xf32>,
        %parallel_loop3A_138 = vector.shape_cast %parallel_loop3A_137 : vector<16xf32> to vector<16xf32>
        %parallel_loop3A_139 = arith.index_cast %parallel_loop3A_135 : i32 to index
        %parallel_loop3A_140 = tpu.vector_load %arg9[%parallel_loop3A_139] {strides = array<i32>} : memref<8192xf32, #tpu.memory_space<vmem>>, vector<16xf32>,
        %parallel_loop3A_141 = vector.shape_cast %parallel_loop3A_140 : vector<16xf32> to vector<16xf32>
        %parallel_loop3A_142 = arith.addf %parallel_loop3A_138, %parallel_loop3A_141 : vector<16xf32>
        %parallel_loop3A_143 = arith.constant 2.560000e+02 : f32
        %parallel_loop3A_144 = vector.broadcast %parallel_loop3A_143 : f32 to vector<16xf32>
        %parallel_loop3A_145 = arith.cmpf oge, %parallel_loop3A_142, %parallel_loop3A_144 : vector<16xf32>
        %parallel_loop3A_146 = arith.constant 2.560000e+02 : f32
        %parallel_loop3A_147 = vector.broadcast %parallel_loop3A_146 : f32 to vector<16xf32>
        %parallel_loop3A_148 = arith.subf %parallel_loop3A_142, %parallel_loop3A_147 : vector<16xf32>
        %parallel_loop3A_149 = arith.select %parallel_loop3A_145, %parallel_loop3A_148, %parallel_loop3A_142 : vector<16xi1>, vector<16xf32>
        %parallel_loop3A_150 = arith.constant 2.560000e+02 : f32
        %parallel_loop3A_151 = vector.broadcast %parallel_loop3A_150 : f32 to vector<16xf32>
        %parallel_loop3A_152 = arith.cmpf oge, %parallel_loop3A_149, %parallel_loop3A_151 : vector<16xf32>
        %parallel_loop3A_153 = arith.constant 2.560000e+02 : f32
        %parallel_loop3A_154 = vector.broadcast %parallel_loop3A_153 : f32 to vector<16xf32>
        %parallel_loop3A_155 = arith.subf %parallel_loop3A_149, %parallel_loop3A_154 : vector<16xf32>
        %parallel_loop3A_156 = arith.select %parallel_loop3A_152, %parallel_loop3A_155, %parallel_loop3A_149 : vector<16xi1>, vector<16xf32>
        %parallel_loop3A_157 = arith.constant 0 : i32
        %parallel_loop3A_158 = arith.addi %parallel_loop3A_135, %parallel_loop3A_157 : i32
        %parallel_loop3A_159 = arith.index_cast %parallel_loop3A_158 : i32 to index
        %parallel_loop3A_160 = tpu.vector_load %arg13[%parallel_loop3A_159] {strides = array<i32>} : memref<16384xf32, #tpu.memory_space<vmem>>, vector<16xf32>,
        %parallel_loop3A_161 = vector.shape_cast %parallel_loop3A_160 : vector<16xf32> to vector<16xf32>
        %parallel_loop3A_162 = vector.shape_cast %parallel_loop3A_156 : vector<16xf32> to vector<16xf32>
        tpu.vector_store %arg13[%parallel_loop3A_159], %parallel_loop3A_162 {strides = array<i32>} : memref<16384xf32, #tpu.memory_space<vmem>>, vector<16xf32>,
      } {sc.loop_unroll_factor = 8 : i64, sc.parallel_access}
      %mul3A_48 = arith.constant 4 : i32
      %mul3A_49 = arith.muli %scan3A_28, %mul3A_48 : i32
      %add3A_50 = arith.constant 1 : i32
      %add3A_51 = arith.addi %mul3A_49, %add3A_50 : i32
      %add3A_52 = arith.constant 4 : i32
      %add3A_53 = arith.addi %add3A_51, %add3A_52 : i32
      %sub3A_54 = arith.constant 1 : i32
      %sub3A_55 = arith.subi %add3A_53, %sub3A_54 : i32
      %lt3A_56 = arith.constant 64 : i32
      %lt3A_57 = arith.cmpi slt, %sub3A_55, %lt3A_56 : i32
      %convert_element_type3A_58 = arith.extui %lt3A_57 : i1 to i32
      %cond3A_59 = arith.constant 0 : i32
      %cond3A_60 = arith.cmpi ne, %convert_element_type3A_58, %cond3A_59 : i32
      scf.if %cond3A_60 {
        %add3A_135 = arith.constant 4 : i32
        %add3A_136 = arith.addi %add3A_51, %add3A_135 : i32
        %sub3A_137 = arith.constant 1 : i32
        %sub3A_138 = arith.subi %add3A_136, %sub3A_137 : i32
        %mul3A_139 = arith.constant 8192 : i32
        %mul3A_140 = arith.muli %sub3A_138, %mul3A_139 : i32
        %add3A_141 = arith.addi %mul3A_2, %mul3A_140 : i32
        %dma_start3A_142 = tpu.memref_slice %arg2[%add3A_141] : memref<16777216xf32, #tpu.memory_space<hbm>> -> memref<8192xf32, #tpu.memory_space<hbm>>
        %dma_start3A_143 = tpu.memref_slice %arg2[%add3A_141] : memref<16777216xf32, #tpu.memory_space<hbm>> -> memref<8192xf32, #tpu.memory_space<hbm>>
        tpu.enqueue_dma source(%dma_start3A_143 : memref<8192xf32, #tpu.memory_space<hbm>>) target(%arg5 : memref<8192xf32, #tpu.memory_space<vmem>>) target_semaphore(%arg15 : memref<!tpu.dma_semaphore, #tpu.memory_space<semaphore_mem>>)
        %dma_start3A_144 = tpu.memref_slice %arg3[%add3A_141] : memref<16777216xf32, #tpu.memory_space<hbm>> -> memref<8192xf32, #tpu.memory_space<hbm>>
        %dma_start3A_145 = tpu.memref_slice %arg3[%add3A_141] : memref<16777216xf32, #tpu.memory_space<hbm>> -> memref<8192xf32, #tpu.memory_space<hbm>>
        tpu.enqueue_dma source(%dma_start3A_145 : memref<8192xf32, #tpu.memory_space<hbm>>) target(%arg9 : memref<8192xf32, #tpu.memory_space<vmem>>) target_semaphore(%arg19 : memref<!tpu.dma_semaphore, #tpu.memory_space<semaphore_mem>>)
      } else {
      }
      %dma_wait3A_61 = tpu.memref_slice %arg2[%mul3A_2] : memref<16777216xf32, #tpu.memory_space<hbm>> -> memref<8192xf32, #tpu.memory_space<hbm>>
      %dma_wait3A_62 = tpu.memref_slice %arg2[%mul3A_2] : memref<16777216xf32, #tpu.memory_space<hbm>> -> memref<8192xf32, #tpu.memory_space<hbm>>
      tpu.wait_dma2 semaphore(%arg16 : memref<!tpu.dma_semaphore, #tpu.memory_space<semaphore_mem>>) src(%dma_wait3A_62 : memref<8192xf32, #tpu.memory_space<hbm>>) dst(%arg6 : memref<8192xf32, #tpu.memory_space<vmem>>)
      %dma_wait3A_63 = tpu.memref_slice %arg3[%mul3A_2] : memref<16777216xf32, #tpu.memory_space<hbm>> -> memref<8192xf32, #tpu.memory_space<hbm>>
      %dma_wait3A_64 = tpu.memref_slice %arg3[%mul3A_2] : memref<16777216xf32, #tpu.memory_space<hbm>> -> memref<8192xf32, #tpu.memory_space<hbm>>
      tpu.wait_dma2 semaphore(%arg20 : memref<!tpu.dma_semaphore, #tpu.memory_space<semaphore_mem>>) src(%dma_wait3A_64 : memref<8192xf32, #tpu.memory_space<hbm>>) dst(%arg10 : memref<8192xf32, #tpu.memory_space<vmem>>)
      %parallel_loop3A_65 = arith.constant 0 : i32
      %parallel_loop3A_66 = arith.constant 8192 : i32
      %parallel_loop3A_67 = arith.constant 16 : i32
      scf.for %parallel_loop3A_135 = %parallel_loop3A_65 to %parallel_loop3A_66 step %parallel_loop3A_67  : i32 {
        %parallel_loop3A_136 = arith.index_cast %parallel_loop3A_135 : i32 to index
        %parallel_loop3A_137 = tpu.vector_load %arg6[%parallel_loop3A_136] {strides = array<i32>} : memref<8192xf32, #tpu.memory_space<vmem>>, vector<16xf32>,
        %parallel_loop3A_138 = vector.shape_cast %parallel_loop3A_137 : vector<16xf32> to vector<16xf32>
        %parallel_loop3A_139 = arith.index_cast %parallel_loop3A_135 : i32 to index
        %parallel_loop3A_140 = tpu.vector_load %arg10[%parallel_loop3A_139] {strides = array<i32>} : memref<8192xf32, #tpu.memory_space<vmem>>, vector<16xf32>,
        %parallel_loop3A_141 = vector.shape_cast %parallel_loop3A_140 : vector<16xf32> to vector<16xf32>
        %parallel_loop3A_142 = arith.addf %parallel_loop3A_138, %parallel_loop3A_141 : vector<16xf32>
        %parallel_loop3A_143 = arith.constant 2.560000e+02 : f32
        %parallel_loop3A_144 = vector.broadcast %parallel_loop3A_143 : f32 to vector<16xf32>
        %parallel_loop3A_145 = arith.cmpf oge, %parallel_loop3A_142, %parallel_loop3A_144 : vector<16xf32>
        %parallel_loop3A_146 = arith.constant 2.560000e+02 : f32
        %parallel_loop3A_147 = vector.broadcast %parallel_loop3A_146 : f32 to vector<16xf32>
        %parallel_loop3A_148 = arith.subf %parallel_loop3A_142, %parallel_loop3A_147 : vector<16xf32>
        %parallel_loop3A_149 = arith.select %parallel_loop3A_145, %parallel_loop3A_148, %parallel_loop3A_142 : vector<16xi1>, vector<16xf32>
        %parallel_loop3A_150 = arith.constant 2.560000e+02 : f32
        %parallel_loop3A_151 = vector.broadcast %parallel_loop3A_150 : f32 to vector<16xf32>
        %parallel_loop3A_152 = arith.cmpf oge, %parallel_loop3A_149, %parallel_loop3A_151 : vector<16xf32>
        %parallel_loop3A_153 = arith.constant 2.560000e+02 : f32
        %parallel_loop3A_154 = vector.broadcast %parallel_loop3A_153 : f32 to vector<16xf32>
        %parallel_loop3A_155 = arith.subf %parallel_loop3A_149, %parallel_loop3A_154 : vector<16xf32>
        %parallel_loop3A_156 = arith.select %parallel_loop3A_152, %parallel_loop3A_155, %parallel_loop3A_149 : vector<16xi1>, vector<16xf32>
        %parallel_loop3A_157 = arith.constant 8192 : i32
        %parallel_loop3A_158 = arith.addi %parallel_loop3A_135, %parallel_loop3A_157 : i32
        %parallel_loop3A_159 = arith.index_cast %parallel_loop3A_158 : i32 to index
        %parallel_loop3A_160 = tpu.vector_load %arg13[%parallel_loop3A_159] {strides = array<i32>} : memref<16384xf32, #tpu.memory_space<vmem>>, vector<16xf32>,
        %parallel_loop3A_161 = vector.shape_cast %parallel_loop3A_160 : vector<16xf32> to vector<16xf32>
        %parallel_loop3A_162 = vector.shape_cast %parallel_loop3A_156 : vector<16xf32> to vector<16xf32>
        tpu.vector_store %arg13[%parallel_loop3A_159], %parallel_loop3A_162 {strides = array<i32>} : memref<16384xf32, #tpu.memory_space<vmem>>, vector<16xf32>,
      } {sc.loop_unroll_factor = 8 : i64, sc.parallel_access}
      %mul3A_68 = arith.constant 2 : i32
      %mul3A_69 = arith.muli %scan3A_28, %mul3A_68 : i32
      %add3A_70 = arith.constant 0 : i32
      %add3A_71 = arith.addi %mul3A_69, %add3A_70 : i32
      %mul3A_72 = arith.constant 2 : i32
      %mul3A_73 = arith.muli %add3A_71, %mul3A_72 : i32
      %mul3A_74 = arith.constant 8192 : i32
      %mul3A_75 = arith.muli %mul3A_73, %mul3A_74 : i32
      %add3A_76 = arith.addi %mul3A_2, %mul3A_75 : i32
      %dma_start3A_77 = tpu.memref_slice %arg4[%add3A_76] : memref<16777216xf32, #tpu.memory_space<hbm>> -> memref<16384xf32, #tpu.memory_space<hbm>>
      %dma_start3A_78 = tpu.memref_slice %arg4[%add3A_76] : memref<16777216xf32, #tpu.memory_space<hbm>> -> memref<16384xf32, #tpu.memory_space<hbm>>
      tpu.enqueue_dma source(%arg13 : memref<16384xf32, #tpu.memory_space<vmem>>) target(%dma_start3A_78 : memref<16384xf32, #tpu.memory_space<hbm>>) target_semaphore(%arg23 : memref<!tpu.dma_semaphore, #tpu.memory_space<semaphore_mem>>)
      %mul3A_79 = arith.constant 4 : i32
      %mul3A_80 = arith.muli %scan3A_28, %mul3A_79 : i32
      %add3A_81 = arith.constant 2 : i32
      %add3A_82 = arith.addi %mul3A_80, %add3A_81 : i32
      %add3A_83 = arith.constant 4 : i32
      %add3A_84 = arith.addi %add3A_82, %add3A_83 : i32
      %sub3A_85 = arith.constant 1 : i32
      %sub3A_86 = arith.subi %add3A_84, %sub3A_85 : i32
      %lt3A_87 = arith.constant 64 : i32
      %lt3A_88 = arith.cmpi slt, %sub3A_86, %lt3A_87 : i32
      %convert_element_type3A_89 = arith.extui %lt3A_88 : i1 to i32
      %cond3A_90 = arith.constant 0 : i32
      %cond3A_91 = arith.cmpi ne, %convert_element_type3A_89, %cond3A_90 : i32
      scf.if %cond3A_91 {
        %add3A_135 = arith.constant 4 : i32
        %add3A_136 = arith.addi %add3A_82, %add3A_135 : i32
        %sub3A_137 = arith.constant 1 : i32
        %sub3A_138 = arith.subi %add3A_136, %sub3A_137 : i32
        %mul3A_139 = arith.constant 8192 : i32
        %mul3A_140 = arith.muli %sub3A_138, %mul3A_139 : i32
        %add3A_141 = arith.addi %mul3A_2, %mul3A_140 : i32
        %dma_start3A_142 = tpu.memref_slice %arg2[%add3A_141] : memref<16777216xf32, #tpu.memory_space<hbm>> -> memref<8192xf32, #tpu.memory_space<hbm>>
        %dma_start3A_143 = tpu.memref_slice %arg2[%add3A_141] : memref<16777216xf32, #tpu.memory_space<hbm>> -> memref<8192xf32, #tpu.memory_space<hbm>>
        tpu.enqueue_dma source(%dma_start3A_143 : memref<8192xf32, #tpu.memory_space<hbm>>) target(%arg6 : memref<8192xf32, #tpu.memory_space<vmem>>) target_semaphore(%arg16 : memref<!tpu.dma_semaphore, #tpu.memory_space<semaphore_mem>>)
        %dma_start3A_144 = tpu.memref_slice %arg3[%add3A_141] : memref<16777216xf32, #tpu.memory_space<hbm>> -> memref<8192xf32, #tpu.memory_space<hbm>>
        %dma_start3A_145 = tpu.memref_slice %arg3[%add3A_141] : memref<16777216xf32, #tpu.memory_space<hbm>> -> memref<8192xf32, #tpu.memory_space<hbm>>
        tpu.enqueue_dma source(%dma_start3A_145 : memref<8192xf32, #tpu.memory_space<hbm>>) target(%arg10 : memref<8192xf32, #tpu.memory_space<vmem>>) target_semaphore(%arg20 : memref<!tpu.dma_semaphore, #tpu.memory_space<semaphore_mem>>)
      } else {
      }
      %dma_wait3A_92 = tpu.memref_slice %arg2[%mul3A_2] : memref<16777216xf32, #tpu.memory_space<hbm>> -> memref<8192xf32, #tpu.memory_space<hbm>>
      %dma_wait3A_93 = tpu.memref_slice %arg2[%mul3A_2] : memref<16777216xf32, #tpu.memory_space<hbm>> -> memref<8192xf32, #tpu.memory_space<hbm>>
      tpu.wait_dma2 semaphore(%arg17 : memref<!tpu.dma_semaphore, #tpu.memory_space<semaphore_mem>>) src(%dma_wait3A_93 : memref<8192xf32, #tpu.memory_space<hbm>>) dst(%arg7 : memref<8192xf32, #tpu.memory_space<vmem>>)
      %dma_wait3A_94 = tpu.memref_slice %arg3[%mul3A_2] : memref<16777216xf32, #tpu.memory_space<hbm>> -> memref<8192xf32, #tpu.memory_space<hbm>>
      %dma_wait3A_95 = tpu.memref_slice %arg3[%mul3A_2] : memref<16777216xf32, #tpu.memory_space<hbm>> -> memref<8192xf32, #tpu.memory_space<hbm>>
      tpu.wait_dma2 semaphore(%arg21 : memref<!tpu.dma_semaphore, #tpu.memory_space<semaphore_mem>>) src(%dma_wait3A_95 : memref<8192xf32, #tpu.memory_space<hbm>>) dst(%arg11 : memref<8192xf32, #tpu.memory_space<vmem>>)
      %ge3A_96 = arith.constant 1 : i32
      %ge3A_97 = arith.cmpi sge, %scan3A_28, %ge3A_96 : i32
      %convert_element_type3A_98 = arith.extui %ge3A_97 : i1 to i32
      %cond3A_99 = arith.constant 0 : i32
      %cond3A_100 = arith.cmpi ne, %convert_element_type3A_98, %cond3A_99 : i32
      scf.if %cond3A_100 {
        %dma_wait3A_135 = tpu.memref_slice %arg4[%mul3A_2] : memref<16777216xf32, #tpu.memory_space<hbm>> -> memref<16384xf32, #tpu.memory_space<hbm>>
        %dma_wait3A_136 = tpu.memref_slice %arg4[%mul3A_2] : memref<16777216xf32, #tpu.memory_space<hbm>> -> memref<16384xf32, #tpu.memory_space<hbm>>
        tpu.wait_dma2 semaphore(%arg24 : memref<!tpu.dma_semaphore, #tpu.memory_space<semaphore_mem>>) src(%arg14 : memref<16384xf32, #tpu.memory_space<vmem>>) dst(%dma_wait3A_136 : memref<16384xf32, #tpu.memory_space<hbm>>)
      } else {
      }
      %parallel_loop3A_101 = arith.constant 0 : i32
      %parallel_loop3A_102 = arith.constant 8192 : i32
      %parallel_loop3A_103 = arith.constant 16 : i32
      scf.for %parallel_loop3A_135 = %parallel_loop3A_101 to %parallel_loop3A_102 step %parallel_loop3A_103  : i32 {
        %parallel_loop3A_136 = arith.index_cast %parallel_loop3A_135 : i32 to index
        %parallel_loop3A_137 = tpu.vector_load %arg7[%parallel_loop3A_136] {strides = array<i32>} : memref<8192xf32, #tpu.memory_space<vmem>>, vector<16xf32>,
        %parallel_loop3A_138 = vector.shape_cast %parallel_loop3A_137 : vector<16xf32> to vector<16xf32>
        %parallel_loop3A_139 = arith.index_cast %parallel_loop3A_135 : i32 to index
        %parallel_loop3A_140 = tpu.vector_load %arg11[%parallel_loop3A_139] {strides = array<i32>} : memref<8192xf32, #tpu.memory_space<vmem>>, vector<16xf32>,
        %parallel_loop3A_141 = vector.shape_cast %parallel_loop3A_140 : vector<16xf32> to vector<16xf32>
        %parallel_loop3A_142 = arith.addf %parallel_loop3A_138, %parallel_loop3A_141 : vector<16xf32>
        %parallel_loop3A_143 = arith.constant 2.560000e+02 : f32
        %parallel_loop3A_144 = vector.broadcast %parallel_loop3A_143 : f32 to vector<16xf32>
        %parallel_loop3A_145 = arith.cmpf oge, %parallel_loop3A_142, %parallel_loop3A_144 : vector<16xf32>
        %parallel_loop3A_146 = arith.constant 2.560000e+02 : f32
        %parallel_loop3A_147 = vector.broadcast %parallel_loop3A_146 : f32 to vector<16xf32>
        %parallel_loop3A_148 = arith.subf %parallel_loop3A_142, %parallel_loop3A_147 : vector<16xf32>
        %parallel_loop3A_149 = arith.select %parallel_loop3A_145, %parallel_loop3A_148, %parallel_loop3A_142 : vector<16xi1>, vector<16xf32>
        %parallel_loop3A_150 = arith.constant 2.560000e+02 : f32
        %parallel_loop3A_151 = vector.broadcast %parallel_loop3A_150 : f32 to vector<16xf32>
        %parallel_loop3A_152 = arith.cmpf oge, %parallel_loop3A_149, %parallel_loop3A_151 : vector<16xf32>
        %parallel_loop3A_153 = arith.constant 2.560000e+02 : f32
        %parallel_loop3A_154 = vector.broadcast %parallel_loop3A_153 : f32 to vector<16xf32>
        %parallel_loop3A_155 = arith.subf %parallel_loop3A_149, %parallel_loop3A_154 : vector<16xf32>
        %parallel_loop3A_156 = arith.select %parallel_loop3A_152, %parallel_loop3A_155, %parallel_loop3A_149 : vector<16xi1>, vector<16xf32>
        %parallel_loop3A_157 = arith.constant 0 : i32
        %parallel_loop3A_158 = arith.addi %parallel_loop3A_135, %parallel_loop3A_157 : i32
        %parallel_loop3A_159 = arith.index_cast %parallel_loop3A_158 : i32 to index
        %parallel_loop3A_160 = tpu.vector_load %arg14[%parallel_loop3A_159] {strides = array<i32>} : memref<16384xf32, #tpu.memory_space<vmem>>, vector<16xf32>,
        %parallel_loop3A_161 = vector.shape_cast %parallel_loop3A_160 : vector<16xf32> to vector<16xf32>
        %parallel_loop3A_162 = vector.shape_cast %parallel_loop3A_156 : vector<16xf32> to vector<16xf32>
        tpu.vector_store %arg14[%parallel_loop3A_159], %parallel_loop3A_162 {strides = array<i32>} : memref<16384xf32, #tpu.memory_space<vmem>>, vector<16xf32>,
      } {sc.loop_unroll_factor = 8 : i64, sc.parallel_access}
      %mul3A_104 = arith.constant 4 : i32
      %mul3A_105 = arith.muli %scan3A_28, %mul3A_104 : i32
      %add3A_106 = arith.constant 3 : i32
      %add3A_107 = arith.addi %mul3A_105, %add3A_106 : i32
      %add3A_108 = arith.constant 4 : i32
      %add3A_109 = arith.addi %add3A_107, %add3A_108 : i32
      %sub3A_110 = arith.constant 1 : i32
      %sub3A_111 = arith.subi %add3A_109, %sub3A_110 : i32
      %lt3A_112 = arith.constant 64 : i32
      %lt3A_113 = arith.cmpi slt, %sub3A_111, %lt3A_112 : i32
      %convert_element_type3A_114 = arith.extui %lt3A_113 : i1 to i32
      %cond3A_115 = arith.constant 0 : i32
      %cond3A_116 = arith.cmpi ne, %convert_element_type3A_114, %cond3A_115 : i32
      scf.if %cond3A_116 {
        %add3A_135 = arith.constant 4 : i32
        %add3A_136 = arith.addi %add3A_107, %add3A_135 : i32
        %sub3A_137 = arith.constant 1 : i32
        %sub3A_138 = arith.subi %add3A_136, %sub3A_137 : i32
        %mul3A_139 = arith.constant 8192 : i32
        %mul3A_140 = arith.muli %sub3A_138, %mul3A_139 : i32
        %add3A_141 = arith.addi %mul3A_2, %mul3A_140 : i32
        %dma_start3A_142 = tpu.memref_slice %arg2[%add3A_141] : memref<16777216xf32, #tpu.memory_space<hbm>> -> memref<8192xf32, #tpu.memory_space<hbm>>
        %dma_start3A_143 = tpu.memref_slice %arg2[%add3A_141] : memref<16777216xf32, #tpu.memory_space<hbm>> -> memref<8192xf32, #tpu.memory_space<hbm>>
        tpu.enqueue_dma source(%dma_start3A_143 : memref<8192xf32, #tpu.memory_space<hbm>>) target(%arg7 : memref<8192xf32, #tpu.memory_space<vmem>>) target_semaphore(%arg17 : memref<!tpu.dma_semaphore, #tpu.memory_space<semaphore_mem>>)
        %dma_start3A_144 = tpu.memref_slice %arg3[%add3A_141] : memref<16777216xf32, #tpu.memory_space<hbm>> -> memref<8192xf32, #tpu.memory_space<hbm>>
        %dma_start3A_145 = tpu.memref_slice %arg3[%add3A_141] : memref<16777216xf32, #tpu.memory_space<hbm>> -> memref<8192xf32, #tpu.memory_space<hbm>>
        tpu.enqueue_dma source(%dma_start3A_145 : memref<8192xf32, #tpu.memory_space<hbm>>) target(%arg11 : memref<8192xf32, #tpu.memory_space<vmem>>) target_semaphore(%arg21 : memref<!tpu.dma_semaphore, #tpu.memory_space<semaphore_mem>>)
      } else {
      }
      %dma_wait3A_117 = tpu.memref_slice %arg2[%mul3A_2] : memref<16777216xf32, #tpu.memory_space<hbm>> -> memref<8192xf32, #tpu.memory_space<hbm>>
      %dma_wait3A_118 = tpu.memref_slice %arg2[%mul3A_2] : memref<16777216xf32, #tpu.memory_space<hbm>> -> memref<8192xf32, #tpu.memory_space<hbm>>
      tpu.wait_dma2 semaphore(%arg18 : memref<!tpu.dma_semaphore, #tpu.memory_space<semaphore_mem>>) src(%dma_wait3A_118 : memref<8192xf32, #tpu.memory_space<hbm>>) dst(%arg8 : memref<8192xf32, #tpu.memory_space<vmem>>)
      %dma_wait3A_119 = tpu.memref_slice %arg3[%mul3A_2] : memref<16777216xf32, #tpu.memory_space<hbm>> -> memref<8192xf32, #tpu.memory_space<hbm>>
      %dma_wait3A_120 = tpu.memref_slice %arg3[%mul3A_2] : memref<16777216xf32, #tpu.memory_space<hbm>> -> memref<8192xf32, #tpu.memory_space<hbm>>
      tpu.wait_dma2 semaphore(%arg22 : memref<!tpu.dma_semaphore, #tpu.memory_space<semaphore_mem>>) src(%dma_wait3A_120 : memref<8192xf32, #tpu.memory_space<hbm>>) dst(%arg12 : memref<8192xf32, #tpu.memory_space<vmem>>)
      %parallel_loop3A_121 = arith.constant 0 : i32
      %parallel_loop3A_122 = arith.constant 8192 : i32
      %parallel_loop3A_123 = arith.constant 16 : i32
      scf.for %parallel_loop3A_135 = %parallel_loop3A_121 to %parallel_loop3A_122 step %parallel_loop3A_123  : i32 {
        %parallel_loop3A_136 = arith.index_cast %parallel_loop3A_135 : i32 to index
        %parallel_loop3A_137 = tpu.vector_load %arg8[%parallel_loop3A_136] {strides = array<i32>} : memref<8192xf32, #tpu.memory_space<vmem>>, vector<16xf32>,
        %parallel_loop3A_138 = vector.shape_cast %parallel_loop3A_137 : vector<16xf32> to vector<16xf32>
        %parallel_loop3A_139 = arith.index_cast %parallel_loop3A_135 : i32 to index
        %parallel_loop3A_140 = tpu.vector_load %arg12[%parallel_loop3A_139] {strides = array<i32>} : memref<8192xf32, #tpu.memory_space<vmem>>, vector<16xf32>,
        %parallel_loop3A_141 = vector.shape_cast %parallel_loop3A_140 : vector<16xf32> to vector<16xf32>
        %parallel_loop3A_142 = arith.addf %parallel_loop3A_138, %parallel_loop3A_141 : vector<16xf32>
        %parallel_loop3A_143 = arith.constant 2.560000e+02 : f32
        %parallel_loop3A_144 = vector.broadcast %parallel_loop3A_143 : f32 to vector<16xf32>
        %parallel_loop3A_145 = arith.cmpf oge, %parallel_loop3A_142, %parallel_loop3A_144 : vector<16xf32>
        %parallel_loop3A_146 = arith.constant 2.560000e+02 : f32
        %parallel_loop3A_147 = vector.broadcast %parallel_loop3A_146 : f32 to vector<16xf32>
        %parallel_loop3A_148 = arith.subf %parallel_loop3A_142, %parallel_loop3A_147 : vector<16xf32>
        %parallel_loop3A_149 = arith.select %parallel_loop3A_145, %parallel_loop3A_148, %parallel_loop3A_142 : vector<16xi1>, vector<16xf32>
        %parallel_loop3A_150 = arith.constant 2.560000e+02 : f32
        %parallel_loop3A_151 = vector.broadcast %parallel_loop3A_150 : f32 to vector<16xf32>
        %parallel_loop3A_152 = arith.cmpf oge, %parallel_loop3A_149, %parallel_loop3A_151 : vector<16xf32>
        %parallel_loop3A_153 = arith.constant 2.560000e+02 : f32
        %parallel_loop3A_154 = vector.broadcast %parallel_loop3A_153 : f32 to vector<16xf32>
        %parallel_loop3A_155 = arith.subf %parallel_loop3A_149, %parallel_loop3A_154 : vector<16xf32>
        %parallel_loop3A_156 = arith.select %parallel_loop3A_152, %parallel_loop3A_155, %parallel_loop3A_149 : vector<16xi1>, vector<16xf32>
        %parallel_loop3A_157 = arith.constant 8192 : i32
        %parallel_loop3A_158 = arith.addi %parallel_loop3A_135, %parallel_loop3A_157 : i32
        %parallel_loop3A_159 = arith.index_cast %parallel_loop3A_158 : i32 to index
        %parallel_loop3A_160 = tpu.vector_load %arg14[%parallel_loop3A_159] {strides = array<i32>} : memref<16384xf32, #tpu.memory_space<vmem>>, vector<16xf32>,
        %parallel_loop3A_161 = vector.shape_cast %parallel_loop3A_160 : vector<16xf32> to vector<16xf32>
        %parallel_loop3A_162 = vector.shape_cast %parallel_loop3A_156 : vector<16xf32> to vector<16xf32>
        tpu.vector_store %arg14[%parallel_loop3A_159], %parallel_loop3A_162 {strides = array<i32>} : memref<16384xf32, #tpu.memory_space<vmem>>, vector<16xf32>,
      } {sc.loop_unroll_factor = 8 : i64, sc.parallel_access}
      %mul3A_124 = arith.constant 2 : i32
      %mul3A_125 = arith.muli %scan3A_28, %mul3A_124 : i32
      %add3A_126 = arith.constant 1 : i32
      %add3A_127 = arith.addi %mul3A_125, %add3A_126 : i32
      %mul3A_128 = arith.constant 2 : i32
      %mul3A_129 = arith.muli %add3A_127, %mul3A_128 : i32
      %mul3A_130 = arith.constant 8192 : i32
      %mul3A_131 = arith.muli %mul3A_129, %mul3A_130 : i32
      %add3A_132 = arith.addi %mul3A_2, %mul3A_131 : i32
      %dma_start3A_133 = tpu.memref_slice %arg4[%add3A_132] : memref<16777216xf32, #tpu.memory_space<hbm>> -> memref<16384xf32, #tpu.memory_space<hbm>>
      %dma_start3A_134 = tpu.memref_slice %arg4[%add3A_132] : memref<16777216xf32, #tpu.memory_space<hbm>> -> memref<16384xf32, #tpu.memory_space<hbm>>
      tpu.enqueue_dma source(%arg14 : memref<16384xf32, #tpu.memory_space<vmem>>) target(%dma_start3A_134 : memref<16384xf32, #tpu.memory_space<hbm>>) target_semaphore(%arg24 : memref<!tpu.dma_semaphore, #tpu.memory_space<semaphore_mem>>)
    }
    %scan3A_24 = arith.constant 16 : i32
    %dma_wait3A = tpu.memref_slice %arg4[%mul3A_2] : memref<16777216xf32, #tpu.memory_space<hbm>> -> memref<16384xf32, #tpu.memory_space<hbm>>
    %dma_wait3A_25 = tpu.memref_slice %arg4[%mul3A_2] : memref<16777216xf32, #tpu.memory_space<hbm>> -> memref<16384xf32, #tpu.memory_space<hbm>>
    tpu.wait_dma2 semaphore(%arg23 : memref<!tpu.dma_semaphore, #tpu.memory_space<semaphore_mem>>) src(%arg13 : memref<16384xf32, #tpu.memory_space<vmem>>) dst(%dma_wait3A_25 : memref<16384xf32, #tpu.memory_space<hbm>>)
    %dma_wait3A_26 = tpu.memref_slice %arg4[%mul3A_2] : memref<16777216xf32, #tpu.memory_space<hbm>> -> memref<16384xf32, #tpu.memory_space<hbm>>
    %dma_wait3A_27 = tpu.memref_slice %arg4[%mul3A_2] : memref<16777216xf32, #tpu.memory_space<hbm>> -> memref<16384xf32, #tpu.memory_space<hbm>>
    tpu.wait_dma2 semaphore(%arg24 : memref<!tpu.dma_semaphore, #tpu.memory_space<semaphore_mem>>) src(%arg14 : memref<16384xf32, #tpu.memory_space<vmem>>) dst(%dma_wait3A_27 : memref<16384xf32, #tpu.memory_space<hbm>>)
    return
  }
}

</mosaic_0001>

<sc_bundles>
// kernel: kernel.3.cloned.1.call-start
scs
__scs_entry_jumppad:
0x0: {  	(pc) =	sbr.rel $0x88, $3  }
0x1: {  	(tag) =	ssettag $0x0;
	lr =	simm.s32 $0x1  }
0x2: {  	[smem:$0x3F9F] =	sst lr;
	_ =	strace $0xD0000000  }
0x3: {  	_ = 	snop  }
0x4: {  	_ = 	snop  }
0x5: {  	_ = 	snop  }
0x6: {  	_ = 	snop  }
0x7: {  	_ = 	snop  }
__scs_overlays_trampoline_lowered:
0x8: {  	[smem:$0x3FAE] =	sst s0  }
0x9: {  	[smem:$0x3FAF] =	sst s1  }
0xa: {  	[smem:$0x3FB0] =	sst s2  }
0xb: {  	[smem:$0x3FB1] =	sst s3  }
0xc: {  	[smem:$0x3FB2] =	sst s4  }
0xd: {  	[smem:$0x3FB3] =	sst s5  }
0xe: {  	[smem:$0x3FB4] =	sst s6  }
0xf: {  	[smem:$0x3FB5] =	sst s7  }
0x10: {  	[smem:$0x3FB6] =	sst s8  }
0x11: {  	[smem:$0x3FB7] =	sst s9;
	s0 =	simm.s32 @!p0 $0x0  }
0x12: {  	s1 =	sld [smem:$0x3F9D];
	s0 =	simm.s32 @p0 $0x1  }
0x13: {  	[smem:$0x3FB8] =	sst s0;
	s0 =	simm.s32 @!p1 $0x0  }
0x14: {  	s2 =	sld [smem:$0x3F9C];
	s0 =	simm.s32 @p1 $0x1  }
0x15: {  	[smem:$0x3FB9] =	sst s0;
	s0 =	simm.s32 @!p2 $0x0  }
0x16: {  	s3 =	sld [smem:$0x3FDB];
	s0 =	simm.s32 @p2 $0x1  }
0x17: {  	s4 =	simm.s32 $0x1BF5;
	[smem:$0x3FBB] =	sst s0  }
0x18: {  	s0 =	sld [smem:$0x3F9E];
	_ =	swait.ge [sflag:s4], $0x0  }
0x19: {  	s7 =	sld [smem:$0x3F9F]  }
0x1a: {  	s8 =	sadd.s32 $0xFFFFE003, lr  }
0x1b: {  	s9 =	sadd.s32 $0xFFFFFEF7, lr;
	s5 =	simm.s32 $0xFFFFFFFF;
	p2 =	slt.u32 s8, $0xFFFFF086  }
0x1c: {  	p1 =	slt.u32 s9, $0xF7A;
	s5 =	simm.s32 @!p2 $0x0  }
0x1d: {  	s5 =	simm.s32 @p1 $0x1;
	p0 =	seq.s32 s7, s2  }
0x1e: {  	s7 =	smul.u32 @!p0 $0xF7A, s2;
	p2 =	seq.s32 @!p0 s5, $0x0  }
0x1f: {  	s9 =	smul.u32 $0xF7A, s1;
	s8 =	simm.s32 @!p0 $0x1BF5;
	p2 =	por !p2, p0  }
0x20: {  	[sflag:s8] =	ssyncset.s32 @!p0 $0xFFFFF086;
	s6 =	sadd.s32 @!p0 s3, s7;
	s7 =	simm.s32 @!p0 $0x108  }
0x21: {  	s3 =	sadd.s32 s3, s9;
	s6 =	sadd.s32 @!p0 $0x88, s6;
	s7 =	simm.s32 @p2 $0x1082  }
0x22: {  	[simem:s7], [sflag:s8] =	dma.local @!p0 [hbm:s6], $0xF7A  }
0x23: {  	s9 =	sor.u32 $0xD0000000, s2;
	s6 =	simm.s32 $0x108;
	_ =	swait.ge @!p0 [sflag:s8], $0x0  }
0x24: {  	s3 =	sadd.s32 $0x88, s3;
	s6 =	simm.s32 @!p1 $0x1082;
	[sflag:s4] =	ssyncset.s32 $0xFFFFF086  }
0x25: {  	[simem:s6], [sflag:s4] =	dma.local [hbm:s3], $0xF7A  }
0x26: {  	[smem:$0x3F9F] =	sst s1;
	(tag) =	ssettag s2;
	_ =	strace s9  }
0x27: {  	s1 =	sld [smem:$0x3FAF]  }
0x28: {  	s2 =	sld [smem:$0x3FB0]  }
0x29: {  	s4 =	sld [smem:$0x3FB2]  }
0x2a: {  	p0 =	seq.s32 s5, $0x0;
	s5 =	sld [smem:$0x3FB3]  }
0x2b: {  	s6 =	sld [smem:$0x3FB4]  }
0x2c: {  	s7 =	sld [smem:$0x3FB5]  }
0x2d: {  	s3 =	simm.s32 $0x108;
	s8 =	sld [smem:$0x3FB6]  }
0x2e: {  	s3 =	simm.s32 @!p0 $0x1082;
	s9 =	sld [smem:$0x3FB7]  }
0x2f: {  	lr =	sadd.s32 s0, s3;
	s0 =	sld [smem:$0x3FAE]  }
0x30: {  	s3 =	sld [smem:$0x3FB1]  }
0x31: {  	[smem:$0x3FBA] =	sst s10  }
0x32: {  	s10 =	sld [smem:$0x3FB8];
	_ =	sdelay $0x3  }
0x33: {  	p0 =	seq.s32 s10, $0x1;
	s10 =	sld [smem:$0x3FBA];
	_ =	sdelay $0x3  }
0x34: {  	[smem:$0x3FBA] =	sst s10  }
0x35: {  	s10 =	sld [smem:$0x3FB9];
	_ =	sdelay $0x3  }
0x36: {  	p1 =	seq.s32 s10, $0x1;
	s10 =	sld [smem:$0x3FBA];
	_ =	sdelay $0x3  }
0x37: {  	[smem:$0x3FBA] =	sst s10  }
0x38: {  	s10 =	sld [smem:$0x3FBB]  }
0x39: {  	_ = 	snop;
	(pc) =	sbr.ind lr, $3  }
0x3a: {  	_ = 	snop  }
0x3b: {  	_ = 	snop  }
0x3c: {  	p2 =	seq.s32 s10, $0x1;
	s10 =	sld [smem:$0x3FBA]  }
0x3d: {  	_ =	shalt  }
0x3e: {  	_ =	shalt  }
0x3f: {  	_ =	shalt  }
0x40: {  	_ =	shalt  }
0x41: {  	_ =	shalt  }
0x42: {  	_ =	shalt  }
0x43: {  	_ =	shalt  }
0x44: {  	_ =	shalt  }
0x45: {  	_ =	shalt  }
0x46: {  	_ =	shalt  }
0x47: {  	_ =	shalt  }
0x48: {  	_ =	shalt  }
0x49: {  	_ =	shalt  }
0x4a: {  	_ =	shalt  }
0x4b: {  	_ =	shalt  }
0x4c: {  	_ =	shalt  }
0x4d: {  	_ =	shalt  }
0x4e: {  	_ =	shalt  }
0x4f: {  	_ =	shalt  }
0x50: {  	_ =	shalt  }
0x51: {  	_ =	shalt  }
0x52: {  	_ =	shalt  }
0x53: {  	_ =	shalt  }
0x54: {  	_ =	shalt  }
0x55: {  	_ =	shalt  }
0x56: {  	_ =	shalt  }
0x57: {  	_ =	shalt  }
0x58: {  	_ =	shalt  }
0x59: {  	_ =	shalt  }
0x5a: {  	_ =	shalt  }
0x5b: {  	_ =	shalt  }
0x5c: {  	_ =	shalt  }
0x5d: {  	_ =	shalt  }
0x5e: {  	_ =	shalt  }
0x5f: {  	_ =	shalt  }
0x60: {  	_ =	shalt  }
0x61: {  	_ =	shalt  }
0x62: {  	_ =	shalt  }
0x63: {  	_ =	shalt  }
0x64: {  	_ =	shalt  }
0x65: {  	_ =	shalt  }
0x66: {  	_ =	shalt  }
0x67: {  	_ =	shalt  }
0x68: {  	_ =	shalt  }
0x69: {  	_ =	shalt  }
0x6a: {  	_ =	shalt  }
0x6b: {  	_ =	shalt  }
0x6c: {  	_ =	shalt  }
0x6d: {  	_ =	shalt  }
0x6e: {  	_ =	shalt  }
0x6f: {  	_ =	shalt  }
0x70: {  	_ =	shalt  }
0x71: {  	_ =	shalt  }
0x72: {  	_ =	shalt  }
0x73: {  	_ =	shalt  }
0x74: {  	_ =	shalt  }
0x75: {  	_ =	shalt  }
0x76: {  	_ =	shalt  }
0x77: {  	_ =	shalt  }
0x78: {  	_ =	shalt  }
0x79: {  	_ =	shalt  }
0x7a: {  	_ =	shalt  }
0x7b: {  	_ =	shalt  }
0x7c: {  	_ =	shalt  }
0x7d: {  	_ =	shalt  }
0x7e: {  	_ =	shalt  }
0x7f: {  	_ =	shalt  }
0x80: {  	_ =	shalt  }
0x81: {  	_ =	shalt  }
0x82: {  	_ =	shalt  }
0x83: {  	_ =	shalt  }
0x84: {  	_ =	shalt  }
0x85: {  	_ =	shalt  }
0x86: {  	_ =	shalt  }
0x87: {  	_ =	shalt  }
.Lfunc_end0:
.L_simem_size_0:
called_computation_lowered:
.L_overlay_start_0:
0x88: {  	s2 =	sld [smem:$0x3FD9]  }
0x89: {  	s3 =	sld [smem:$0x3FFE];
	_ =	sdelay $0x1  }
0x8a: {  	s1 =	srdreg.scid  }
0x8b: {  	s0 =	sand.u32 $0x1, s1  }
0x8c: {  	s18 =	sshll.u32 s0, $0xA;
	s2 =	sadd.s32 s3, s2  }
0x8d: {  	s2 =	sadd.s32 s2, s18  }
0x8e: {  	[smem:$0x3FC6] =	sst s2  }
0x8f: {  	_ = 	snop  }
0x90: {  	s2 =	sld [smem:$0x3FC9]  }
0x91: {  	s19 =	sld [smem:$0x3FC8]  }
0x92: {  	s4 =	sld [smem:$0x3FD0];
	(tm) =	ssettm $0x1  }
0x93: {  	s5 =	sld [smem:$0x3FFB];
	_ =	sdelay $0x3  }
0x94: {  	_ =	strace s5  }
0x95: {  	s5 =	sld [smem:$0x3FFC];
	_ =	sdelay $0x3  }
0x96: {  	_ =	strace s5  }
0x97: {  	s5 =	sld [smem:$0x3FFD];
	_ =	sdelay $0x3  }
0x98: {  	_ =	strace s5  }
0x99: {  	_ =	strace $0x8FFFFFFF  }
0x9a: {  	s20 =	sld [smem:$0x3FDB];
	_ =	sdelay $0x1  }
0x9b: {  	s6 =	simm.s32 $_scs_section_size  }
0x9c: {  	s7 =	simm.s32 $_size__tile_overlayer_lowered;
	s8 =	simm.s32 $_tile_overlayer_lowered  }
0x9d: {  	s23 =	simm.s32 $0x1BFF;
	s22 =	sshll.u32 s8, $0x1;
	s5 =	sadd.s32 s6, s20  }
0x9e: {  	s9 =	simm.s32 $0x0;
	s21 =	sshll.u32 s7, $0x1;
	s7 =	sadd.s32 s22, s5  }
0x9f: {  	[timem:s9], [sflag:s23] =	dma.local [hbm:s7], s21  }
0xa0: {  	_ =	swait.ge [sflag:s23], s21  }
0xa1: {  	s6 =	ssub.s32 $0x0, s21;
	[sflag:s23] =	ssyncset.done $0x0  }
0xa2: {  	[sflag:s23] =	ssyncadd.s32 s6;
	_ =	sdelay $0x1  }
0xa3: {  	s24 =	simm.s32 $0x1B8B  }
0xa4: {  	_ =	swait.ge [sflag:s24], $0x1  }
0xa5: {  	[sflag:s24] =	ssyncset.done $0x0  }
0xa6: {  	s25 =	simm.s32 $0x1B8E;
	[sflag:s24] =	ssyncadd.s32 $0xFFFFFFFF  }
0xa7: {  	s26 =	simm.s32 $execute0_lowered;
	[smem:$0x3FD2] =	sst s25  }
0xa8: {  	s6 =	sshll.u32 s26, $0x1;
	_ =	strace $0x80000046;
	[dreg:$0x1] =	wrdreg $0xFFFFFFFF  }
0xa9: {  	s28 =	simm.s32 $_size_execute0_lowered;
	s5 =	sadd.s32 s5, s6;
	[dreg:$0x0] =	wrdreg $0x0  }
0xaa: {  	s6 =	sshll.u32 s28, $0x1;
	[dreg:$0x2] =	wrdreg s5  }
0xab: {  	[dreg:$0x3] =	wrdreg s6  }
0xac: {  	[dreg:$0x4] =	wrdreg $0xC0  }
0xad: {  	_ =	task [dreg:s9], $0x5FFFF  }
0xae: {  	[dreg:$0x1] =	wrdreg $0xFFFFFFFF  }
0xaf: {  	[dreg:$0x0] =	wrdreg $0x60  }
0xb0: {  	[dreg:$0x2] =	wrdreg s2  }
0xb1: {  	[dreg:$0x3] =	wrdreg s19  }
0xb2: {  	[dreg:$0x4] =	wrdreg s4  }
0xb3: {  	[dreg:$0x5] =	wrdreg $0x9  }
0xb4: {  	_ =	task.clear_ibuf [dreg:s9], $0x6FFFF;
	_ =	strace $0x90000046  }
0xb5: {  	s29 =	simm.s32 $0x9;
	_ =	strace $0x80000048  }
0xb6: {  	_ =	swait.ge [sflag:s29], $0x1  }
0xb7: {  	[sflag:s29] =	ssyncadd.s32 $0xFFFFFFFF  }
0xb8: {  	_ =	strace $0x90000048  }
0xb9: {  	_ =	sfence  }
0xba: {  	s30 =	sld [smem:$0x0];
	_ =	sdelay $0x2  }
0xbb: {  	s31 =	sshll.u32 s1, $0xD;
	s1 =	sshrl.u32 s1, $0x2  }
0xbc: {  	s3 =	sand.u32 $0x4000, s31;
	s1 =	sadd.s32 s1, s30  }
0xbd: {  	s0 =	sor.u32 s3, s0;
	s1 =	sshll.u32 s1, $0x11  }
0xbe: {  	s0 =	sor.u32 s1, s0  }
0xbf: {  	s0 =	sadd.s32 $0x8F2B, s0  }
0xc0: {  	[sflag:s0] =	ssyncadd.remote.s32 $0x1  }
0xc1: {  	_ =	sfence.sel $0xFFFF  }
0xc2: {  	[dreg:$0x0] =	wrdreg $0xFFFFFFFF;
	(pc) =	sbr.abs _section_cstart, $3  }
0xc3: {  	[dreg:$0x1] =	wrdreg $0xFFFFFFFF  }
0xc4: {  	_ =	task.clear_ibuf [dreg:s9], $0x2FFFF;
	_ =	strace $0x9FFFFFFF  }
0xc5: {  	(tm) =	ssettm $0x7FFFFFFF  }
tec
execute0_lowered:
.L_overlay_start_1:
0x0: {  	(tag) =	ssettag $0x1  }
0x1: {  	s1 =	rddreg [dreg:$0x0]  }
0x2: {  	s3 =	rddreg [dreg:$0x1]  }
0x3: {  	s4 =	rddreg [dreg:$0x2]  }
0x4: {  	s0 =	srdreg.scid;
	s2 =	stileid.u32  }
0x5: {  	s5 =	simm.s32 $0x0;
	s28 =	simm.s32 $0x6;
	s29 =	simm.s32 $0x10000  }
0x6: {  	s30 =	simm.s32 $0x3;
	s31 =	simm.s32 $0x7;
	s17 =	simm.s32 $0x14000  }
0x7: {  	s18 =	simm.s32 $0x9;
	s19 =	simm.s32 $0xA;
	s0 =	sand.u32 $0x1, s0  }
0x8: {  	s20 =	simm.s32 $0x0;
	s2 =	sshll.u32 s2, $0x14;
	s6 =	sshll.u32 s0, $0x13  }
0x9: {  	[smem:$0x7FF] =	sst s5;
	s0 =	ssub.s32 $0x2, s0;
	s6 =	sor.u32 s6, s2  }
0xa: {  	_ =	strace $0x80000047;
	s21 =	sshrl.u32 s0, $0x1;
	s7 =	sshrl.u32 s6, $0x3  }
0xb: {  	s0 =	ssub.s32 s0, s21;
	s13 =	sor.u32 $0x8000, s6;
	s22 =	sadd.s32 s1, s7  }
0xc: {  	s14 =	sor.u32 $0xA000, s6;
	s8 =	sadd.s32 s3, s7;
	[dreg:$0x4] =	wrdreg s22  }
0xd: {  	s23 =	sor.u32 $0x400, s7;
	s0 =	smax.u32 s0, $0x1;
	[dreg:$0x5] =	wrdreg s8  }
0xe: {  	s15 =	sor.u32 $0xC000, s6;
	s24 =	sadd.s32 s1, s23;
	[dreg:$0xa] =	wrdreg s0  }
0xf: {  	s7 =	sor.u32 $0x800, s7;
	s2 =	sadd.s32 s3, s23;
	[dreg:$0x6] =	wrdreg s24  }
0x10: {  	s25 =	sadd.s32 s1, s7;
	s26 =	sadd.s32 s3, s7;
	[dreg:$0x7] =	wrdreg s2  }
0x11: {  	s22 =	simm.s32 $0x6000;
	s23 =	simm.s32 $0xE000;
	[dreg:$0x8] =	wrdreg s25  }
0x12: {  	s0 =	simm.s32 $0x4;
	[dreg:$0x9] =	wrdreg s26;
	s24 =	simm.s32 $0x1  }
0x13: {  	s25 =	simm.s32 $0x5;
	s26 =	simm.s32 $0x2;
	s2 =	simm.s32 $0x8  }
.LBB2_1:
0x14: {  	s7 =	rddreg [dreg:$0x4]  }
0x15: {  	[tilespmem:s5], [sflag:$0x1] =	stream.linear.gather [hbm4b:s7+s5], $0x2000, $0x38;
	[tilespmem:$0x18000] =	vst v63  }
0x16: {  	s12 =	rddreg [dreg:$0x5];
	s8 =	simm.s32 $0x8000  }
0x17: {  	[tilespmem:s8], [sflag:$0x5] =	stream.linear.gather [hbm4b:s12+s5], $0x2000, $0x38;
	[tilespmem:$0x18000] =	vst v63  }
0x18: {  	s16 =	rddreg [dreg:$0x6];
	s21 =	simm.s32 $0x2000  }
0x19: {  	[tilespmem:s21], [sflag:$0x2] =	stream.linear.gather [hbm4b:s16+s5], $0x2000, $0x38;
	[tilespmem:$0x18000] =	vst v63  }
0x1a: {  	s9 =	rddreg [dreg:$0x7];
	s10 =	simm.s32 $0xA000  }
0x1b: {  	[tilespmem:s10], [sflag:$0x6] =	stream.linear.gather [hbm4b:s9+s5], $0x2000, $0x38;
	[tilespmem:$0x18000] =	vst v63  }
0x1c: {  	s11 =	rddreg [dreg:$0x8];
	s12 =	simm.s32 $0x4000  }
0x1d: {  	[tilespmem:s12], [sflag:$0x3] =	stream.linear.gather [hbm4b:s11+s5], $0x2000, $0x38;
	[tilespmem:$0x18000] =	vst v63  }
0x1e: {  	s16 =	rddreg [dreg:$0x9];
	s21 =	simm.s32 $0xC000  }
0x1f: {  	[tilespmem:s21], [sflag:$0x7] =	stream.linear.gather [hbm4b:s16+s5], $0x2000, $0x38;
	[tilespmem:$0x18000] =	vst v63  }
0x20: {  	s21 =	simm.s32 $0x0  }
.LBB2_2:
0x21: {  	s8 =	sshll.u32 s21, $0xF  }
0x22: {  	s7 =	sor.u32 s8, s6  }
0x23: {  	s7 =	sshrl.u32 s7, $0x3  }
0x24: {  	s9 =	sor.u32 $0xC00, s7  }
0x25: {  	s10 =	sadd.s32 s1, s9  }
0x26: {  	[tilespmem:s22], [sflag:$0x4] =	stream.linear.gather [hbm4b:s10+s5], $0x2000, $0x38;
	[tilespmem:$0x18000] =	vst v63  }
0x27: {  	s9 =	sadd.s32 s3, s9  }
0x28: {  	[tilespmem:s23], [sflag:$0x8] =	stream.linear.gather [hbm4b:s9+s5], $0x2000, $0x38;
	[tilespmem:$0x18000] =	vst v63  }
0x29: {  	_ =	swait.ge [sflag:s24], $0x2000  }
0x2a: {  	[sflag:s24] =	ssyncset.done $0x0  }
0x2b: {  	[sflag:s24] =	ssyncadd.s32 $0xFFFFE000  }
0x2c: {  	_ =	swait.ge [sflag:s25], $0x2000  }
0x2d: {  	p1 =	seq.s32 s21, $0x0;
	[sflag:s25] =	ssyncset.done $0x0  }
0x2e: {  	s9 =	simm.s32 @!p1 $0x9;
	[sflag:s25] =	ssyncadd.s32 $0xFFFFE000  }
0x2f: {  	_ =	swait.ge @!p1 [sflag:s9], $0x4000  }
0x30: {  	[sflag:s9] =	ssyncset.done @!p1 $0x0  }
0x31: {  	s11 =	simm.s32 $0x40;
	[sflag:s9] =	ssyncadd.s32 @!p1 $0xFFFFC000  }
0x32: {  	s9 =	simm.s32 $0x8040;
	v0 =	vld [tilespmem:s11+$0x30]  }
0x33: {  	v1 =	vld [tilespmem:s9+$0x30]  }
0x34: {  	v2 =	vld [tilespmem:s11+$0xFFFFFFD0]  }
0x35: {  	v3 =	vld [tilespmem:s9+$0xFFFFFFD0]  }
0x36: {  	v4 =	vld [tilespmem:s11+$0xFFFFFFE0]  }
0x37: {  	v5 =	vld [tilespmem:s9+$0xFFFFFFE0]  }
0x38: {  	v6 =	vld [tilespmem:s9+$0xFFFFFFF0]  }
0x39: {  	v9 =	vld [tilespmem:s11+$0x10]  }
0x3a: {  	v11 =	vld [tilespmem:s9+$0x10]  }
0x3b: {  	v8 =	vld [tilespmem:s11+$0x0]  }
0x3c: {  	v0 =	vadd.f32 v1, v0;
	v1 =	vld [tilespmem:s11+$0xFFFFFFF0]  }
0x3d: {  	v2 =	vadd.f32 v3, v2;
	v3 =	vld [tilespmem:s9+$0x0]  }
0x3e: {  	v5 =	vadd.f32 v5, v4;
	v7 =	vadd.f32 $-2.560000000e+02, v0  }
0x3f: {  	v9 =	vadd.f32 v11, v9;
	vm0 =	vge.f32 v0, $2.560000000e+02  }
0x40: {  	v11 =	vld [tilespmem:s11+$0xFFFFFFC0];
	v10 =	vadd.f32 $-2.560000000e+02, v5;
	v0 =	vsel vm0, v7, v0;
	v7 =	vadd.f32 $-2.560000000e+02, v2  }
0x41: {  	vm0 =	vge.f32 v2, $2.560000000e+02;
	v4 =	vadd.f32 $-2.560000000e+02, v0;
	v12 =	vadd.f32 v6, v1;
	v6 =	vld [tilespmem:s11+$0x20]  }
0x42: {  	vm1 =	vge.f32 v0, $2.560000000e+02;
	v1 =	vsel vm0, v7, v2;
	v7 =	vadd.f32 v3, v8;
	v8 =	vld [tilespmem:s9+$0x20]  }
0x43: {  	v13 =	vsel vm1, v4, v0;
	vm1 =	vge.f32 v5, $2.560000000e+02;
	v0 =	vld [tilespmem:s9+$0xFFFFFFC0];
	vm3 =	vge.f32 v12, $2.560000000e+02  }
0x44: {  	v14 =	vadd.f32 $-2.560000000e+02, v12;
	vm0 =	vge.f32 v1, $2.560000000e+02;
	v4 =	vadd.f32 $-2.560000000e+02, v1  }
0x45: {  	s10 =	simm.s32 $0x10040;
	v2 =	vsel vm1, v10, v5;
	vm2 =	vge.f32 v7, $2.560000000e+02;
	v10 =	vadd.f32 $-2.560000000e+02, v7  }
0x46: {  	s12 =	simm.s32 $0x0;
	s16 =	simm.s32 $0xC0;
	s11 =	simm.s32 $0x10040;
	[tilespmem:s10+$0x30] =	vst v13;
	vm1 =	vge.f32 v2, $2.560000000e+02;
	v5 =	vadd.f32 $-2.560000000e+02, v2;
	v3 =	vsel vm3, v14, v12  }
.LBB2_3:
0x47: {  	v12 =	vld [tilespmem:s16+$0x30];
	vm3 =	vge.f32 v9, $2.560000000e+02;
	v13 =	vadd.f32 $-2.560000000e+02, v9;
	v6 =	vadd.f32 v8, v6;
	s9 =	sadd.s32 $0x80, s9  }
0x48: {  	s12 =	sadd.s32 $0x80, s12;
	v14 =	vadd.f32 $-2.560000000e+02, v3;
	v7 =	vsel vm2, v10, v7;
	v8 =	vld [tilespmem:s9+$0x30];
	v11 =	vadd.f32 v0, v11  }
0x49: {  	p0 =	slt.u32 s12, $0x1F80;
	v0 =	vld [tilespmem:s9+$0xFFFFFFC0];
	v9 =	vsel vm3, v13, v9;
	vm2 =	vge.f32 v6, $2.560000000e+02;
	v10 =	vadd.f32 $-2.560000000e+02, v6  }
0x4a: {  	v16 =	vadd.f32 $-2.560000000e+02, v7;
	v13 =	vld [tilespmem:s16+$0xFFFFFFD0];
	vm3 =	vge.f32 v11, $2.560000000e+02;
	v15 =	vadd.f32 $-2.560000000e+02, v11  }
0x4b: {  	vm4 =	vge.f32 v3, $2.560000000e+02;
	v18 =	vadd.f32 $-2.560000000e+02, v9;
	v17 =	vld [tilespmem:s9+$0xFFFFFFD0];
	v6 =	vsel vm2, v10, v6  }
0x4c: {  	vm2 =	vge.f32 v7, $2.560000000e+02;
	v10 =	vld [tilespmem:s16+$0xFFFFFFE0];
	v11 =	vsel vm3, v15, v11;
	v15 =	vadd.f32 $-2.560000000e+02, v6  }
0x4d: {  	v19 =	vld [tilespmem:s9+$0xFFFFFFE0];
	v8 =	vadd.f32 v8, v12;
	vm3 =	vge.f32 v11, $2.560000000e+02;
	v12 =	vadd.f32 $-2.560000000e+02, v11  }
0x4e: {  	v1 =	vsel vm0, v4, v1;
	vm0 =	vge.f32 v9, $2.560000000e+02;
	vm5 =	vge.f32 v6, $2.560000000e+02;
	v20 =	vld [tilespmem:s16+$0xFFFFFFF0]  }
0x4f: {  	v4 =	vld [tilespmem:s9+$0xFFFFFFF0];
	v21 =	vadd.f32 $-2.560000000e+02, v8;
	v11 =	vsel vm3, v12, v11;
	[tilespmem:s10+$0xFFFFFFD0] =	vst v1;
	v1 =	vsel vm1, v5, v2  }
0x50: {  	v3 =	vsel vm4, v14, v3;
	vm1 =	vge.f32 v8, $2.560000000e+02;
	v2 =	vadd.f32 v17, v13;
	v5 =	vld [tilespmem:s16+$0x0];
	[tilespmem:s10+$0xFFFFFFC0] =	vst v11  }
0x51: {  	v12 =	vld [tilespmem:s9+$0x0];
	v8 =	vsel vm1, v21, v8;
	[tilespmem:s10+$0xFFFFFFE0] =	vst v1;
	v1 =	vsel vm2, v16, v7;
	v7 =	vsel vm0, v18, v9  }
0x52: {  	vm0 =	vge.f32 v2, $2.560000000e+02;
	v9 =	vadd.f32 v19, v10;
	v13 =	vld [tilespmem:s16+$0x10];
	v10 =	vadd.f32 $-2.560000000e+02, v8;
	[tilespmem:s10+$0xFFFFFFF0] =	vst v3  }
0x53: {  	v15 =	vsel vm5, v15, v6;
	v3 =	vadd.f32 $-2.560000000e+02, v2;
	vm1 =	vge.f32 v8, $2.560000000e+02;
	v14 =	vld [tilespmem:s9+$0x10];
	[tilespmem:s10+$0x0] =	vst v1  }
0x54: {  	s10 =	sadd.s32 $0x80, s10;
	v16 =	vadd.f32 $-2.560000000e+02, v9;
	v17 =	vadd.f32 v4, v20;
	v6 =	vld [tilespmem:s16+$0x20];
	v4 =	vsel vm1, v10, v8;
	[tilespmem:s11+$0x10] =	vst v7  }
.Ltmp0:
0x55: {  	v1 =	vsel vm0, v3, v2;
	vm1 =	vge.f32 v9, $2.560000000e+02;
	v8 =	vld [tilespmem:s9+$0x20];
	[tilespmem:s10+$0x30] =	vst v4;
	(pc) =	sbr.rel @p0 .LBB2_3-.Ltmp0, $4  }
0x56: {  	v11 =	vld [tilespmem:s16+$0xFFFFFFC0];
	vm3 =	vge.f32 v17, $2.560000000e+02;
	v3 =	vadd.f32 $-2.560000000e+02, v17;
	v7 =	vadd.f32 v12, v5;
	[tilespmem:s11+$0x20] =	vst v15;
	s11 =	smov.u32 s10  }
0x57: {  	vm0 =	vge.f32 v1, $2.560000000e+02;
	v4 =	vadd.f32 $-2.560000000e+02, v1;
	v2 =	vsel vm1, v16, v9  }
0x58: {  	vm2 =	vge.f32 v7, $2.560000000e+02;
	v10 =	vadd.f32 $-2.560000000e+02, v7;
	v9 =	vadd.f32 v14, v13  }
0x59: {  	s16 =	sadd.s32 $0x80, s16;
	vm1 =	vge.f32 v2, $2.560000000e+02;
	v5 =	vadd.f32 $-2.560000000e+02, v2;
	v3 =	vsel vm3, v3, v17  }
0x5a: {  	_ = 	snop  }
0x5b: {  	v0 =	vadd.f32 v0, v11  }
0x5c: {  	v12 =	vadd.f32 $-2.560000000e+02, v9  }
0x5d: {  	vm3 =	vge.f32 v9, $2.560000000e+02;
	v6 =	vadd.f32 v8, v6;
	v11 =	vadd.f32 $-2.560000000e+02, v0  }
0x5e: {  	v8 =	vadd.f32 $-2.560000000e+02, v3;
	v7 =	vsel vm2, v10, v7;
	vm4 =	vge.f32 v0, $2.560000000e+02  }
0x5f: {  	v1 =	vsel vm0, v4, v1;
	vm0 =	vge.f32 v3, $2.560000000e+02;
	v0 =	vsel vm4, v11, v0  }
0x60: {  	v2 =	vsel vm1, v5, v2;
	v9 =	vsel vm3, v12, v9;
	v10 =	vadd.f32 $-2.560000000e+02, v0  }
0x61: {  	[tilespmem:s10+$0xFFFFFFD0] =	vst v1;
	vm2 =	vge.f32 v6, $2.560000000e+02;
	v4 =	vadd.f32 $-2.560000000e+02, v6;
	vm3 =	vge.f32 v0, $2.560000000e+02  }
0x62: {  	v3 =	vsel vm0, v8, v3;
	[tilespmem:s10+$0xFFFFFFE0] =	vst v2;
	v1 =	vadd.f32 $-2.560000000e+02, v9;
	v0 =	vsel vm3, v10, v0  }
0x63: {  	vm0 =	vge.f32 v9, $2.560000000e+02;
	v11 =	vadd.f32 $-2.560000000e+02, v7;
	[tilespmem:s10+$0xFFFFFFC0] =	vst v0;
	v0 =	vsel vm2, v4, v6  }
0x64: {  	p0 =	seq.s32 s21, $0xF;
	vm1 =	vge.f32 v7, $2.560000000e+02;
	[tilespmem:s10+$0xFFFFFFF0] =	vst v3;
	v1 =	vsel vm0, v1, v9;
	v2 =	vadd.f32 $-2.560000000e+02, v0  }
0x65: {  	s9 =	sadd.s32 @!p0 s8, s13;
	[tilespmem:s11+$0x10] =	vst v1;
	v4 =	vsel vm1, v11, v7;
	vm1 =	vge.f32 v0, $2.560000000e+02  }
0x66: {  	s9 =	sshrl.u32 @!p0 s9, $0x3;
	[tilespmem:s10+$0x0] =	vst v4;
	v0 =	vsel vm1, v2, v0  }
0x67: {  	s10 =	sadd.s32 @!p0 s1, s9;
	[tilespmem:s11+$0x20] =	vst v0;
	s11 =	simm.s32 @!p0 $0x0  }
0x68: {  	[tilespmem:s11], [sflag:$0x1] =	stream.linear.gather @!p0 [hbm4b:s10+s11], $0x2000, $0x38;
	[tilespmem:$0x18000] =	vst v63  }
0x69: {  	s9 =	sadd.s32 @!p0 s3, s9;
	s10 =	simm.s32 @!p0 $0x8000  }
0x6a: {  	[tilespmem:s10], [sflag:$0x5] =	stream.linear.gather @!p0 [hbm4b:s9+s11], $0x2000, $0x38;
	[tilespmem:$0x18000] =	vst v63  }
0x6b: {  	_ =	swait.ge [sflag:s26], $0x2000  }
0x6c: {  	[sflag:s26] =	ssyncset.done $0x0  }
0x6d: {  	[sflag:s26] =	ssyncadd.s32 $0xFFFFE000  }
0x6e: {  	_ =	swait.ge [sflag:s28], $0x2000  }
0x6f: {  	[sflag:s28] =	ssyncset.done $0x0  }
0x70: {  	s16 =	simm.s32 $0x2040;
	[sflag:s28] =	ssyncadd.s32 $0xFFFFE000  }
0x71: {  	s9 =	simm.s32 $0xA040;
	v0 =	vld [tilespmem:s16+$0x30]  }
0x72: {  	v1 =	vld [tilespmem:s9+$0x30]  }
0x73: {  	v2 =	vld [tilespmem:s16+$0xFFFFFFD0]  }
0x74: {  	v3 =	vld [tilespmem:s9+$0xFFFFFFD0]  }
0x75: {  	v4 =	vld [tilespmem:s16+$0xFFFFFFE0]  }
0x76: {  	v5 =	vld [tilespmem:s9+$0xFFFFFFE0]  }
0x77: {  	v6 =	vld [tilespmem:s9+$0xFFFFFFF0]  }
0x78: {  	v9 =	vld [tilespmem:s16+$0x10]  }
0x79: {  	v11 =	vld [tilespmem:s9+$0x10]  }
0x7a: {  	v8 =	vld [tilespmem:s16+$0x0]  }
0x7b: {  	v0 =	vadd.f32 v1, v0;
	v1 =	vld [tilespmem:s16+$0xFFFFFFF0]  }
0x7c: {  	v2 =	vadd.f32 v3, v2;
	v3 =	vld [tilespmem:s9+$0x0]  }
0x7d: {  	v5 =	vadd.f32 v5, v4;
	v7 =	vadd.f32 $-2.560000000e+02, v0  }
0x7e: {  	v9 =	vadd.f32 v11, v9;
	vm0 =	vge.f32 v0, $2.560000000e+02  }
0x7f: {  	v11 =	vld [tilespmem:s16+$0xFFFFFFC0];
	v10 =	vadd.f32 $-2.560000000e+02, v5;
	v0 =	vsel vm0, v7, v0;
	v7 =	vadd.f32 $-2.560000000e+02, v2  }
0x80: {  	vm0 =	vge.f32 v2, $2.560000000e+02;
	v4 =	vadd.f32 $-2.560000000e+02, v0;
	v63 =	vadd.f32 v6, v1;
	v6 =	vld [tilespmem:s16+$0x20]  }
0x81: {  	vm1 =	vge.f32 v0, $2.560000000e+02;
	v1 =	vsel vm0, v7, v2;
	v7 =	vadd.f32 v3, v8;
	v8 =	vld [tilespmem:s9+$0x20]  }
0x82: {  	v13 =	vsel vm1, v4, v0;
	vm1 =	vge.f32 v5, $2.560000000e+02;
	v0 =	vld [tilespmem:s9+$0xFFFFFFC0];
	vm3 =	vge.f32 v63, $2.560000000e+02  }
0x83: {  	v14 =	vadd.f32 $-2.560000000e+02, v63;
	vm0 =	vge.f32 v1, $2.560000000e+02;
	v4 =	vadd.f32 $-2.560000000e+02, v1  }
0x84: {  	s10 =	simm.s32 $0x12070;
	v2 =	vsel vm1, v10, v5;
	vm2 =	vge.f32 v7, $2.560000000e+02;
	v10 =	vadd.f32 $-2.560000000e+02, v7  }
0x85: {  	s12 =	simm.s32 $0x0;
	s11 =	simm.s32 $0x12070;
	s16 =	simm.s32 $0x20C0;
	[tilespmem:s10+$0x0] =	vst v13;
	vm1 =	vge.f32 v2, $2.560000000e+02;
	v5 =	vadd.f32 $-2.560000000e+02, v2;
	v3 =	vsel vm3, v14, v63  }
.LBB2_5:
0x86: {  	v12 =	vld [tilespmem:s16+$0x30];
	vm3 =	vge.f32 v9, $2.560000000e+02;
	v13 =	vadd.f32 $-2.560000000e+02, v9;
	v6 =	vadd.f32 v8, v6;
	s9 =	sadd.s32 $0x80, s9  }
0x87: {  	s12 =	sadd.s32 $0x80, s12;
	v14 =	vadd.f32 $-2.560000000e+02, v3;
	v7 =	vsel vm2, v10, v7;
	v8 =	vld [tilespmem:s9+$0x30];
	v11 =	vadd.f32 v0, v11  }
0x88: {  	p2 =	slt.u32 s12, $0x1F80;
	v0 =	vld [tilespmem:s9+$0xFFFFFFC0];
	v9 =	vsel vm3, v13, v9;
	vm2 =	vge.f32 v6, $2.560000000e+02;
	v10 =	vadd.f32 $-2.560000000e+02, v6  }
0x89: {  	v16 =	vadd.f32 $-2.560000000e+02, v7;
	v13 =	vld [tilespmem:s16+$0xFFFFFFD0];
	vm3 =	vge.f32 v11, $2.560000000e+02;
	v15 =	vadd.f32 $-2.560000000e+02, v11  }
0x8a: {  	vm4 =	vge.f32 v3, $2.560000000e+02;
	v18 =	vadd.f32 $-2.560000000e+02, v9;
	v17 =	vld [tilespmem:s9+$0xFFFFFFD0];
	v6 =	vsel vm2, v10, v6  }
0x8b: {  	vm2 =	vge.f32 v7, $2.560000000e+02;
	v10 =	vld [tilespmem:s16+$0xFFFFFFE0];
	v11 =	vsel vm3, v15, v11;
	v15 =	vadd.f32 $-2.560000000e+02, v6  }
0x8c: {  	v19 =	vld [tilespmem:s9+$0xFFFFFFE0];
	v8 =	vadd.f32 v8, v12;
	vm3 =	vge.f32 v11, $2.560000000e+02;
	v12 =	vadd.f32 $-2.560000000e+02, v11  }
0x8d: {  	v1 =	vsel vm0, v4, v1;
	vm0 =	vge.f32 v9, $2.560000000e+02;
	vm5 =	vge.f32 v6, $2.560000000e+02;
	v20 =	vld [tilespmem:s16+$0xFFFFFFF0]  }
0x8e: {  	v4 =	vld [tilespmem:s9+$0xFFFFFFF0];
	v21 =	vadd.f32 $-2.560000000e+02, v8;
	v11 =	vsel vm3, v12, v11;
	[tilespmem:s10+$0xFFFFFFA0] =	vst v1;
	v1 =	vsel vm1, v5, v2  }
0x8f: {  	v3 =	vsel vm4, v14, v3;
	vm1 =	vge.f32 v8, $2.560000000e+02;
	v2 =	vadd.f32 v17, v13;
	v5 =	vld [tilespmem:s16+$0x0];
	[tilespmem:s10+$0xFFFFFF90] =	vst v11  }
0x90: {  	v12 =	vld [tilespmem:s9+$0x0];
	v8 =	vsel vm1, v21, v8;
	[tilespmem:s10+$0xFFFFFFB0] =	vst v1;
	v1 =	vsel vm2, v16, v7;
	v7 =	vsel vm0, v18, v9  }
0x91: {  	vm0 =	vge.f32 v2, $2.560000000e+02;
	v9 =	vadd.f32 v19, v10;
	v13 =	vld [tilespmem:s16+$0x10];
	v10 =	vadd.f32 $-2.560000000e+02, v8;
	[tilespmem:s10+$0xFFFFFFC0] =	vst v3  }
0x92: {  	v15 =	vsel vm5, v15, v6;
	v3 =	vadd.f32 $-2.560000000e+02, v2;
	vm1 =	vge.f32 v8, $2.560000000e+02;
	v14 =	vld [tilespmem:s9+$0x10];
	[tilespmem:s10+$0xFFFFFFD0] =	vst v1  }
0x93: {  	s10 =	sadd.s32 $0x80, s10;
	v16 =	vadd.f32 $-2.560000000e+02, v9;
	v17 =	vadd.f32 v4, v20;
	v6 =	vld [tilespmem:s16+$0x20];
	v4 =	vsel vm1, v10, v8;
	[tilespmem:s11+$0xFFFFFFE0] =	vst v7  }
.Ltmp1:
0x94: {  	v1 =	vsel vm0, v3, v2;
	vm1 =	vge.f32 v9, $2.560000000e+02;
	v8 =	vld [tilespmem:s9+$0x20];
	[tilespmem:s10+$0x0] =	vst v4;
	(pc) =	sbr.rel @p2 .LBB2_5-.Ltmp1, $4  }
0x95: {  	v11 =	vld [tilespmem:s16+$0xFFFFFFC0];
	vm3 =	vge.f32 v17, $2.560000000e+02;
	v3 =	vadd.f32 $-2.560000000e+02, v17;
	v7 =	vadd.f32 v12, v5;
	[tilespmem:s11+$0xFFFFFFF0] =	vst v15;
	s11 =	smov.u32 s10  }
0x96: {  	vm0 =	vge.f32 v1, $2.560000000e+02;
	v4 =	vadd.f32 $-2.560000000e+02, v1;
	v2 =	vsel vm1, v16, v9  }
0x97: {  	vm2 =	vge.f32 v7, $2.560000000e+02;
	v10 =	vadd.f32 $-2.560000000e+02, v7;
	v9 =	vadd.f32 v14, v13  }
0x98: {  	s16 =	sadd.s32 $0x80, s16;
	vm1 =	vge.f32 v2, $2.560000000e+02;
	v5 =	vadd.f32 $-2.560000000e+02, v2;
	v3 =	vsel vm3, v3, v17  }
0x99: {  	_ = 	snop  }
0x9a: {  	v0 =	vadd.f32 v0, v11  }
0x9b: {  	v12 =	vadd.f32 $-2.560000000e+02, v9  }
0x9c: {  	vm3 =	vge.f32 v9, $2.560000000e+02;
	v6 =	vadd.f32 v8, v6;
	v11 =	vadd.f32 $-2.560000000e+02, v0  }
0x9d: {  	v8 =	vadd.f32 $-2.560000000e+02, v3;
	v7 =	vsel vm2, v10, v7;
	vm4 =	vge.f32 v0, $2.560000000e+02  }
0x9e: {  	v1 =	vsel vm0, v4, v1;
	vm0 =	vge.f32 v3, $2.560000000e+02;
	v0 =	vsel vm4, v11, v0  }
0x9f: {  	v2 =	vsel vm1, v5, v2;
	v9 =	vsel vm3, v12, v9;
	v10 =	vadd.f32 $-2.560000000e+02, v0  }
0xa0: {  	[tilespmem:s10+$0xFFFFFFA0] =	vst v1;
	vm2 =	vge.f32 v6, $2.560000000e+02;
	v4 =	vadd.f32 $-2.560000000e+02, v6;
	vm3 =	vge.f32 v0, $2.560000000e+02  }
0xa1: {  	v3 =	vsel vm0, v8, v3;
	[tilespmem:s10+$0xFFFFFFB0] =	vst v2;
	v1 =	vadd.f32 $-2.560000000e+02, v9;
	v0 =	vsel vm3, v10, v0  }
0xa2: {  	vm0 =	vge.f32 v9, $2.560000000e+02;
	v11 =	vadd.f32 $-2.560000000e+02, v7;
	[tilespmem:s10+$0xFFFFFF90] =	vst v0;
	v0 =	vsel vm2, v4, v6  }
0xa3: {  	vm1 =	vge.f32 v7, $2.560000000e+02;
	[tilespmem:s10+$0xFFFFFFC0] =	vst v3;
	v1 =	vsel vm0, v1, v9;
	v2 =	vadd.f32 $-2.560000000e+02, v0  }
0xa4: {  	[tilespmem:s11+$0xFFFFFFE0] =	vst v1;
	v4 =	vsel vm1, v11, v7;
	vm1 =	vge.f32 v0, $2.560000000e+02  }
0xa5: {  	[tilespmem:s10+$0xFFFFFFD0] =	vst v4;
	v0 =	vsel vm1, v2, v0  }
0xa6: {  	s9 =	sadd.s32 s4, s7;
	[tilespmem:s11+$0xFFFFFFF0] =	vst v0  }
0xa7: {  	[hbm4b:s9+s5] =	stream.linear.scatter [tilespmem:s29], [sflag:$0x9], $0x4000, $0x38;
	[tilespmem:$0x18000] =	vst v63  }
0xa8: {  	s9 =	sadd.s32 @!p0 s8, s14  }
0xa9: {  	s9 =	sshrl.u32 @!p0 s9, $0x3  }
0xaa: {  	s12 =	simm.s32 @!p0 $0x2000;
	s11 =	simm.s32 @!p0 $0x0;
	s10 =	sadd.s32 @!p0 s1, s9  }
0xab: {  	[tilespmem:s12], [sflag:$0x2] =	stream.linear.gather @!p0 [hbm4b:s10+s11], $0x2000, $0x38;
	[tilespmem:$0x18000] =	vst v63  }
0xac: {  	s9 =	sadd.s32 @!p0 s3, s9;
	s10 =	simm.s32 @!p0 $0xA000  }
0xad: {  	[tilespmem:s10], [sflag:$0x6] =	stream.linear.gather @!p0 [hbm4b:s9+s11], $0x2000, $0x38;
	[tilespmem:$0x18000] =	vst v63  }
0xae: {  	_ =	swait.ge [sflag:s30], $0x2000  }
0xaf: {  	[sflag:s30] =	ssyncset.done $0x0  }
0xb0: {  	[sflag:s30] =	ssyncadd.s32 $0xFFFFE000  }
0xb1: {  	_ =	swait.ge [sflag:s31], $0x2000  }
0xb2: {  	[sflag:s31] =	ssyncset.done $0x0  }
0xb3: {  	s9 =	simm.s32 @!p1 $0xA;
	[sflag:s31] =	ssyncadd.s32 $0xFFFFE000  }
0xb4: {  	_ =	swait.ge @!p1 [sflag:s9], $0x4000  }
0xb5: {  	[sflag:s9] =	ssyncset.done @!p1 $0x0  }
0xb6: {  	s16 =	simm.s32 $0x4040;
	[sflag:s9] =	ssyncadd.s32 @!p1 $0xFFFFC000  }
0xb7: {  	s9 =	simm.s32 $0xC040;
	v0 =	vld [tilespmem:s16+$0x30]  }
0xb8: {  	v1 =	vld [tilespmem:s9+$0x30]  }
0xb9: {  	v2 =	vld [tilespmem:s16+$0xFFFFFFD0]  }
0xba: {  	v3 =	vld [tilespmem:s9+$0xFFFFFFD0]  }
0xbb: {  	v4 =	vld [tilespmem:s16+$0xFFFFFFE0]  }
0xbc: {  	v5 =	vld [tilespmem:s9+$0xFFFFFFE0]  }
0xbd: {  	v6 =	vld [tilespmem:s9+$0xFFFFFFF0]  }
0xbe: {  	v9 =	vld [tilespmem:s16+$0x10]  }
0xbf: {  	v11 =	vld [tilespmem:s9+$0x10]  }
0xc0: {  	v8 =	vld [tilespmem:s16+$0x0]  }
0xc1: {  	v0 =	vadd.f32 v1, v0;
	v1 =	vld [tilespmem:s16+$0xFFFFFFF0]  }
0xc2: {  	v2 =	vadd.f32 v3, v2;
	v3 =	vld [tilespmem:s9+$0x0]  }
0xc3: {  	v5 =	vadd.f32 v5, v4;
	v7 =	vadd.f32 $-2.560000000e+02, v0  }
0xc4: {  	v9 =	vadd.f32 v11, v9;
	vm0 =	vge.f32 v0, $2.560000000e+02  }
0xc5: {  	v11 =	vld [tilespmem:s16+$0xFFFFFFC0];
	v10 =	vadd.f32 $-2.560000000e+02, v5;
	v0 =	vsel vm0, v7, v0;
	v7 =	vadd.f32 $-2.560000000e+02, v2  }
0xc6: {  	vm0 =	vge.f32 v2, $2.560000000e+02;
	v4 =	vadd.f32 $-2.560000000e+02, v0;
	v63 =	vadd.f32 v6, v1;
	v6 =	vld [tilespmem:s16+$0x20]  }
0xc7: {  	vm1 =	vge.f32 v0, $2.560000000e+02;
	v1 =	vsel vm0, v7, v2;
	v7 =	vadd.f32 v3, v8;
	v8 =	vld [tilespmem:s9+$0x20]  }
0xc8: {  	v13 =	vsel vm1, v4, v0;
	vm1 =	vge.f32 v5, $2.560000000e+02;
	v0 =	vld [tilespmem:s9+$0xFFFFFFC0];
	vm3 =	vge.f32 v63, $2.560000000e+02  }
0xc9: {  	v14 =	vadd.f32 $-2.560000000e+02, v63;
	vm0 =	vge.f32 v1, $2.560000000e+02;
	v4 =	vadd.f32 $-2.560000000e+02, v1  }
0xca: {  	s10 =	simm.s32 $0x14040;
	v2 =	vsel vm1, v10, v5;
	vm2 =	vge.f32 v7, $2.560000000e+02;
	v10 =	vadd.f32 $-2.560000000e+02, v7  }
0xcb: {  	s12 =	simm.s32 $0x0;
	s11 =	simm.s32 $0x14040;
	s16 =	simm.s32 $0x40C0;
	[tilespmem:s10+$0x30] =	vst v13;
	vm1 =	vge.f32 v2, $2.560000000e+02;
	v5 =	vadd.f32 $-2.560000000e+02, v2;
	v3 =	vsel vm3, v14, v63  }
.LBB2_7:
0xcc: {  	v12 =	vld [tilespmem:s16+$0x30];
	vm3 =	vge.f32 v9, $2.560000000e+02;
	v13 =	vadd.f32 $-2.560000000e+02, v9;
	v6 =	vadd.f32 v8, v6;
	s9 =	sadd.s32 $0x80, s9  }
0xcd: {  	s12 =	sadd.s32 $0x80, s12;
	v14 =	vadd.f32 $-2.560000000e+02, v3;
	v7 =	vsel vm2, v10, v7;
	v8 =	vld [tilespmem:s9+$0x30];
	v11 =	vadd.f32 v0, v11  }
0xce: {  	p1 =	slt.u32 s12, $0x1F80;
	v0 =	vld [tilespmem:s9+$0xFFFFFFC0];
	v9 =	vsel vm3, v13, v9;
	vm2 =	vge.f32 v6, $2.560000000e+02;
	v10 =	vadd.f32 $-2.560000000e+02, v6  }
0xcf: {  	v16 =	vadd.f32 $-2.560000000e+02, v7;
	v13 =	vld [tilespmem:s16+$0xFFFFFFD0];
	vm3 =	vge.f32 v11, $2.560000000e+02;
	v15 =	vadd.f32 $-2.560000000e+02, v11  }
0xd0: {  	vm4 =	vge.f32 v3, $2.560000000e+02;
	v18 =	vadd.f32 $-2.560000000e+02, v9;
	v17 =	vld [tilespmem:s9+$0xFFFFFFD0];
	v6 =	vsel vm2, v10, v6  }
0xd1: {  	vm2 =	vge.f32 v7, $2.560000000e+02;
	v10 =	vld [tilespmem:s16+$0xFFFFFFE0];
	v11 =	vsel vm3, v15, v11;
	v15 =	vadd.f32 $-2.560000000e+02, v6  }
0xd2: {  	v19 =	vld [tilespmem:s9+$0xFFFFFFE0];
	v8 =	vadd.f32 v8, v12;
	vm3 =	vge.f32 v11, $2.560000000e+02;
	v12 =	vadd.f32 $-2.560000000e+02, v11  }
0xd3: {  	v1 =	vsel vm0, v4, v1;
	vm0 =	vge.f32 v9, $2.560000000e+02;
	vm5 =	vge.f32 v6, $2.560000000e+02;
	v20 =	vld [tilespmem:s16+$0xFFFFFFF0]  }
0xd4: {  	v4 =	vld [tilespmem:s9+$0xFFFFFFF0];
	v21 =	vadd.f32 $-2.560000000e+02, v8;
	v11 =	vsel vm3, v12, v11;
	[tilespmem:s10+$0xFFFFFFD0] =	vst v1;
	v1 =	vsel vm1, v5, v2  }
0xd5: {  	v3 =	vsel vm4, v14, v3;
	vm1 =	vge.f32 v8, $2.560000000e+02;
	v2 =	vadd.f32 v17, v13;
	v5 =	vld [tilespmem:s16+$0x0];
	[tilespmem:s10+$0xFFFFFFC0] =	vst v11  }
0xd6: {  	v12 =	vld [tilespmem:s9+$0x0];
	v8 =	vsel vm1, v21, v8;
	[tilespmem:s10+$0xFFFFFFE0] =	vst v1;
	v1 =	vsel vm2, v16, v7;
	v7 =	vsel vm0, v18, v9  }
0xd7: {  	vm0 =	vge.f32 v2, $2.560000000e+02;
	v9 =	vadd.f32 v19, v10;
	v13 =	vld [tilespmem:s16+$0x10];
	v10 =	vadd.f32 $-2.560000000e+02, v8;
	[tilespmem:s10+$0xFFFFFFF0] =	vst v3  }
0xd8: {  	v15 =	vsel vm5, v15, v6;
	v3 =	vadd.f32 $-2.560000000e+02, v2;
	vm1 =	vge.f32 v8, $2.560000000e+02;
	v14 =	vld [tilespmem:s9+$0x10];
	[tilespmem:s10+$0x0] =	vst v1  }
0xd9: {  	s10 =	sadd.s32 $0x80, s10;
	v16 =	vadd.f32 $-2.560000000e+02, v9;
	v17 =	vadd.f32 v4, v20;
	v6 =	vld [tilespmem:s16+$0x20];
	v4 =	vsel vm1, v10, v8;
	[tilespmem:s11+$0x10] =	vst v7  }
.Ltmp2:
0xda: {  	v1 =	vsel vm0, v3, v2;
	vm1 =	vge.f32 v9, $2.560000000e+02;
	v8 =	vld [tilespmem:s9+$0x20];
	[tilespmem:s10+$0x30] =	vst v4;
	(pc) =	sbr.rel @p1 .LBB2_7-.Ltmp2, $4  }
0xdb: {  	v11 =	vld [tilespmem:s16+$0xFFFFFFC0];
	vm3 =	vge.f32 v17, $2.560000000e+02;
	v3 =	vadd.f32 $-2.560000000e+02, v17;
	v7 =	vadd.f32 v12, v5;
	[tilespmem:s11+$0x20] =	vst v15;
	s11 =	smov.u32 s10  }
0xdc: {  	vm0 =	vge.f32 v1, $2.560000000e+02;
	v4 =	vadd.f32 $-2.560000000e+02, v1;
	v2 =	vsel vm1, v16, v9  }
0xdd: {  	vm2 =	vge.f32 v7, $2.560000000e+02;
	v10 =	vadd.f32 $-2.560000000e+02, v7;
	v9 =	vadd.f32 v14, v13  }
0xde: {  	s16 =	sadd.s32 $0x80, s16;
	vm1 =	vge.f32 v2, $2.560000000e+02;
	v5 =	vadd.f32 $-2.560000000e+02, v2;
	v3 =	vsel vm3, v3, v17  }
0xdf: {  	_ = 	snop  }
0xe0: {  	v0 =	vadd.f32 v0, v11  }
0xe1: {  	v12 =	vadd.f32 $-2.560000000e+02, v9  }
0xe2: {  	vm3 =	vge.f32 v9, $2.560000000e+02;
	v6 =	vadd.f32 v8, v6;
	v11 =	vadd.f32 $-2.560000000e+02, v0  }
0xe3: {  	v8 =	vadd.f32 $-2.560000000e+02, v3;
	v7 =	vsel vm2, v10, v7;
	vm4 =	vge.f32 v0, $2.560000000e+02  }
0xe4: {  	v1 =	vsel vm0, v4, v1;
	vm0 =	vge.f32 v3, $2.560000000e+02;
	v0 =	vsel vm4, v11, v0  }
0xe5: {  	v2 =	vsel vm1, v5, v2;
	v9 =	vsel vm3, v12, v9;
	v10 =	vadd.f32 $-2.560000000e+02, v0  }
0xe6: {  	[tilespmem:s10+$0xFFFFFFD0] =	vst v1;
	vm2 =	vge.f32 v6, $2.560000000e+02;
	v4 =	vadd.f32 $-2.560000000e+02, v6;
	vm3 =	vge.f32 v0, $2.560000000e+02  }
0xe7: {  	v3 =	vsel vm0, v8, v3;
	[tilespmem:s10+$0xFFFFFFE0] =	vst v2;
	v1 =	vadd.f32 $-2.560000000e+02, v9;
	v0 =	vsel vm3, v10, v0  }
0xe8: {  	vm0 =	vge.f32 v9, $2.560000000e+02;
	v11 =	vadd.f32 $-2.560000000e+02, v7;
	[tilespmem:s10+$0xFFFFFFC0] =	vst v0;
	v0 =	vsel vm2, v4, v6  }
0xe9: {  	vm1 =	vge.f32 v7, $2.560000000e+02;
	[tilespmem:s10+$0xFFFFFFF0] =	vst v3;
	v1 =	vsel vm0, v1, v9;
	v2 =	vadd.f32 $-2.560000000e+02, v0  }
0xea: {  	s8 =	sadd.s32 @!p0 s8, s15;
	[tilespmem:s11+$0x10] =	vst v1;
	v4 =	vsel vm1, v11, v7;
	vm1 =	vge.f32 v0, $2.560000000e+02  }
0xeb: {  	s8 =	sshrl.u32 @!p0 s8, $0x3;
	[tilespmem:s10+$0x0] =	vst v4;
	v0 =	vsel vm1, v2, v0  }
0xec: {  	s9 =	sadd.s32 @!p0 s1, s8;
	s10 =	simm.s32 @!p0 $0x0;
	[tilespmem:s11+$0x20] =	vst v0;
	s11 =	simm.s32 @!p0 $0x4000  }
0xed: {  	[tilespmem:s11], [sflag:$0x3] =	stream.linear.gather @!p0 [hbm4b:s9+s10], $0x2000, $0x38;
	[tilespmem:$0x18000] =	vst v63  }
0xee: {  	s8 =	sadd.s32 @!p0 s3, s8;
	s9 =	simm.s32 @!p0 $0xC000  }
0xef: {  	[tilespmem:s9], [sflag:$0x7] =	stream.linear.gather @!p0 [hbm4b:s8+s10], $0x2000, $0x38;
	[tilespmem:$0x18000] =	vst v63  }
0xf0: {  	_ =	swait.ge [sflag:s0], $0x2000  }
0xf1: {  	[sflag:s0] =	ssyncset.done $0x0  }
0xf2: {  	[sflag:s0] =	ssyncadd.s32 $0xFFFFE000  }
0xf3: {  	_ =	swait.ge [sflag:s2], $0x2000  }
0xf4: {  	[sflag:s2] =	ssyncset.done $0x0  }
0xf5: {  	s16 =	simm.s32 $0x6040;
	[sflag:s2] =	ssyncadd.s32 $0xFFFFE000  }
0xf6: {  	s8 =	simm.s32 $0xE040;
	v0 =	vld [tilespmem:s16+$0x30]  }
0xf7: {  	v1 =	vld [tilespmem:s8+$0x30]  }
0xf8: {  	v2 =	vld [tilespmem:s16+$0xFFFFFFD0]  }
0xf9: {  	v3 =	vld [tilespmem:s8+$0xFFFFFFD0]  }
0xfa: {  	v4 =	vld [tilespmem:s16+$0xFFFFFFE0]  }
0xfb: {  	v5 =	vld [tilespmem:s8+$0xFFFFFFE0]  }
0xfc: {  	v6 =	vld [tilespmem:s8+$0xFFFFFFF0]  }
0xfd: {  	v9 =	vld [tilespmem:s16+$0x10]  }
0xfe: {  	v11 =	vld [tilespmem:s8+$0x10]  }
0xff: {  	v8 =	vld [tilespmem:s16+$0x0]  }
0x100: {  	v0 =	vadd.f32 v1, v0;
	v1 =	vld [tilespmem:s16+$0xFFFFFFF0]  }
0x101: {  	v2 =	vadd.f32 v3, v2;
	v3 =	vld [tilespmem:s8+$0x0]  }
0x102: {  	v5 =	vadd.f32 v5, v4;
	v7 =	vadd.f32 $-2.560000000e+02, v0  }
0x103: {  	v9 =	vadd.f32 v11, v9;
	vm0 =	vge.f32 v0, $2.560000000e+02  }
0x104: {  	v11 =	vld [tilespmem:s16+$0xFFFFFFC0];
	v10 =	vadd.f32 $-2.560000000e+02, v5;
	v0 =	vsel vm0, v7, v0;
	v7 =	vadd.f32 $-2.560000000e+02, v2  }
0x105: {  	vm0 =	vge.f32 v2, $2.560000000e+02;
	v4 =	vadd.f32 $-2.560000000e+02, v0;
	v63 =	vadd.f32 v6, v1;
	v6 =	vld [tilespmem:s16+$0x20]  }
0x106: {  	vm1 =	vge.f32 v0, $2.560000000e+02;
	v1 =	vsel vm0, v7, v2;
	v7 =	vadd.f32 v3, v8;
	v8 =	vld [tilespmem:s8+$0x20]  }
0x107: {  	v13 =	vsel vm1, v4, v0;
	vm1 =	vge.f32 v5, $2.560000000e+02;
	v0 =	vld [tilespmem:s8+$0xFFFFFFC0];
	vm3 =	vge.f32 v63, $2.560000000e+02  }
0x108: {  	v14 =	vadd.f32 $-2.560000000e+02, v63;
	vm0 =	vge.f32 v1, $2.560000000e+02;
	v4 =	vadd.f32 $-2.560000000e+02, v1  }
0x109: {  	s9 =	simm.s32 $0x16070;
	v2 =	vsel vm1, v10, v5;
	vm2 =	vge.f32 v7, $2.560000000e+02;
	v10 =	vadd.f32 $-2.560000000e+02, v7  }
0x10a: {  	s12 =	simm.s32 $0x60C0;
	s11 =	simm.s32 $0x0;
	s10 =	simm.s32 $0x16070;
	[tilespmem:s9+$0x0] =	vst v13;
	vm1 =	vge.f32 v2, $2.560000000e+02;
	v5 =	vadd.f32 $-2.560000000e+02, v2;
	v3 =	vsel vm3, v14, v63  }
.LBB2_9:
0x10b: {  	v12 =	vld [tilespmem:s12+$0x30];
	vm3 =	vge.f32 v9, $2.560000000e+02;
	v13 =	vadd.f32 $-2.560000000e+02, v9;
	v6 =	vadd.f32 v8, v6;
	s8 =	sadd.s32 $0x80, s8  }
0x10c: {  	s11 =	sadd.s32 $0x80, s11;
	v14 =	vadd.f32 $-2.560000000e+02, v3;
	v7 =	vsel vm2, v10, v7;
	v8 =	vld [tilespmem:s8+$0x30];
	v11 =	vadd.f32 v0, v11  }
0x10d: {  	p0 =	slt.u32 s11, $0x1F80;
	v0 =	vld [tilespmem:s8+$0xFFFFFFC0];
	v9 =	vsel vm3, v13, v9;
	vm2 =	vge.f32 v6, $2.560000000e+02;
	v10 =	vadd.f32 $-2.560000000e+02, v6  }
0x10e: {  	v16 =	vadd.f32 $-2.560000000e+02, v7;
	v13 =	vld [tilespmem:s12+$0xFFFFFFD0];
	vm3 =	vge.f32 v11, $2.560000000e+02;
	v15 =	vadd.f32 $-2.560000000e+02, v11  }
0x10f: {  	vm4 =	vge.f32 v3, $2.560000000e+02;
	v18 =	vadd.f32 $-2.560000000e+02, v9;
	v17 =	vld [tilespmem:s8+$0xFFFFFFD0];
	v6 =	vsel vm2, v10, v6  }
0x110: {  	vm2 =	vge.f32 v7, $2.560000000e+02;
	v10 =	vld [tilespmem:s12+$0xFFFFFFE0];
	v11 =	vsel vm3, v15, v11;
	v15 =	vadd.f32 $-2.560000000e+02, v6  }
0x111: {  	v19 =	vld [tilespmem:s8+$0xFFFFFFE0];
	v8 =	vadd.f32 v8, v12;
	vm3 =	vge.f32 v11, $2.560000000e+02;
	v12 =	vadd.f32 $-2.560000000e+02, v11  }
0x112: {  	v1 =	vsel vm0, v4, v1;
	vm0 =	vge.f32 v9, $2.560000000e+02;
	vm5 =	vge.f32 v6, $2.560000000e+02;
	v20 =	vld [tilespmem:s12+$0xFFFFFFF0]  }
0x113: {  	v4 =	vld [tilespmem:s8+$0xFFFFFFF0];
	v21 =	vadd.f32 $-2.560000000e+02, v8;
	v11 =	vsel vm3, v12, v11;
	[tilespmem:s9+$0xFFFFFFA0] =	vst v1;
	v1 =	vsel vm1, v5, v2  }
0x114: {  	v3 =	vsel vm4, v14, v3;
	vm1 =	vge.f32 v8, $2.560000000e+02;
	v2 =	vadd.f32 v17, v13;
	v5 =	vld [tilespmem:s12+$0x0];
	[tilespmem:s9+$0xFFFFFF90] =	vst v11  }
0x115: {  	v12 =	vld [tilespmem:s8+$0x0];
	v8 =	vsel vm1, v21, v8;
	[tilespmem:s9+$0xFFFFFFB0] =	vst v1;
	v1 =	vsel vm2, v16, v7;
	v7 =	vsel vm0, v18, v9  }
0x116: {  	vm0 =	vge.f32 v2, $2.560000000e+02;
	v9 =	vadd.f32 v19, v10;
	v13 =	vld [tilespmem:s12+$0x10];
	v10 =	vadd.f32 $-2.560000000e+02, v8;
	[tilespmem:s9+$0xFFFFFFC0] =	vst v3  }
0x117: {  	v15 =	vsel vm5, v15, v6;
	v3 =	vadd.f32 $-2.560000000e+02, v2;
	vm1 =	vge.f32 v8, $2.560000000e+02;
	v14 =	vld [tilespmem:s8+$0x10];
	[tilespmem:s9+$0xFFFFFFD0] =	vst v1  }
0x118: {  	s9 =	sadd.s32 $0x80, s9;
	v16 =	vadd.f32 $-2.560000000e+02, v9;
	v17 =	vadd.f32 v4, v20;
	v6 =	vld [tilespmem:s12+$0x20];
	v4 =	vsel vm1, v10, v8;
	[tilespmem:s10+$0xFFFFFFE0] =	vst v7  }
.Ltmp3:
0x119: {  	v1 =	vsel vm0, v3, v2;
	vm1 =	vge.f32 v9, $2.560000000e+02;
	v8 =	vld [tilespmem:s8+$0x20];
	[tilespmem:s9+$0x0] =	vst v4;
	(pc) =	sbr.rel @p0 .LBB2_9-.Ltmp3, $4  }
0x11a: {  	v11 =	vld [tilespmem:s12+$0xFFFFFFC0];
	vm3 =	vge.f32 v17, $2.560000000e+02;
	v3 =	vadd.f32 $-2.560000000e+02, v17;
	v7 =	vadd.f32 v12, v5;
	[tilespmem:s10+$0xFFFFFFF0] =	vst v15;
	s10 =	smov.u32 s9  }
0x11b: {  	vm0 =	vge.f32 v1, $2.560000000e+02;
	v4 =	vadd.f32 $-2.560000000e+02, v1;
	v2 =	vsel vm1, v16, v9  }
0x11c: {  	vm2 =	vge.f32 v7, $2.560000000e+02;
	v10 =	vadd.f32 $-2.560000000e+02, v7;
	v9 =	vadd.f32 v14, v13  }
0x11d: {  	s12 =	sadd.s32 $0x80, s12;
	vm1 =	vge.f32 v2, $2.560000000e+02;
	v5 =	vadd.f32 $-2.560000000e+02, v2;
	v3 =	vsel vm3, v3, v17  }
0x11e: {  	vm3 =	vge.f32 v9, $2.560000000e+02;
	v12 =	vadd.f32 $-2.560000000e+02, v9  }
0x11f: {  	v6 =	vadd.f32 v8, v6;
	v56 =	vadd.f32 $-2.560000000e+02, v3;
	v7 =	vsel vm2, v10, v7  }
0x120: {  	v1 =	vsel vm0, v4, v1;
	vm12 =	vge.f32 v3, $2.560000000e+02;
	v0 =	vadd.f32 v0, v11  }
0x121: {  	v59 =	vadd.f32 $-2.560000000e+02, v7;
	v2 =	vsel vm1, v5, v2;
	vm13 =	vge.f32 v7, $2.560000000e+02  }
0x122: {  	v9 =	vsel vm3, v12, v9;
	vm10 =	vge.f32 v6, $2.560000000e+02;
	v11 =	vadd.f32 $-2.560000000e+02, v0  }
0x123: {  	[tilespmem:s9+$0xFFFFFFA0] =	vst v1;
	v58 =	vadd.f32 $-2.560000000e+02, v6;
	v3 =	vsel vm12, v56, v3;
	vm4 =	vge.f32 v0, $2.560000000e+02  }
0x124: {  	s21 =	sadd.s32 $0x1, s21;
	[tilespmem:s9+$0xFFFFFFB0] =	vst v2;
	v60 =	vadd.f32 $-2.560000000e+02, v9;
	vm14 =	vge.f32 v9, $2.560000000e+02;
	v0 =	vsel vm4, v11, v0  }
0x125: {  	p0 =	sne.s32 s21, $0x10;
	v63 =	vsel vm13, v59, v7;
	[tilespmem:s9+$0xFFFFFFC0] =	vst v3;
	v61 =	vsel vm10, v58, v6;
	v57 =	vadd.f32 $-2.560000000e+02, v0  }
.Ltmp4:
0x126: {  	[tilespmem:s9+$0xFFFFFFD0] =	vst v63;
	v62 =	vadd.f32 $-2.560000000e+02, v61;
	v1 =	vsel vm14, v60, v9;
	vm11 =	vge.f32 v0, $2.560000000e+02;
	(pc) =	sbr.rel @p0 .LBB2_2-.Ltmp4, $4  }
0x127: {  	vm15 =	vge.f32 v61, $2.560000000e+02;
	[tilespmem:s10+$0xFFFFFFE0] =	vst v1;
	v0 =	vsel vm11, v57, v0  }
0x128: {  	s7 =	sadd.s32 s7, s4;
	[tilespmem:s9+$0xFFFFFF90] =	vst v0;
	v0 =	vsel vm15, v62, v61  }
0x129: {  	s7 =	sadd.s32 $0x800, s7;
	[tilespmem:s10+$0xFFFFFFF0] =	vst v0  }
0x12a: {  	[hbm4b:s7+s5] =	stream.linear.scatter [tilespmem:s17], [sflag:$0xA], $0x4000, $0x38;
	[tilespmem:$0x18000] =	vst v63  }
0x12b: {  	_ =	swait.ge [sflag:s18], $0x4000  }
0x12c: {  	[sflag:s18] =	ssyncset.done $0x0  }
0x12d: {  	[sflag:s18] =	ssyncadd.s32 $0xFFFFC000  }
0x12e: {  	_ =	swait.ge [sflag:s19], $0x4000  }
0x12f: {  	s20 =	sadd.s32 $0x1, s20;
	s7 =	rddreg [dreg:$0xa]  }
0x130: {  	p0 =	sne.s32 s20, s7  }
.Ltmp5:
0x131: {  	_ = 	snop;
	(pc) =	sbr.rel @p0 .LBB2_1-.Ltmp5, $3  }
0x132: {  	_ =	sdelay $0x1  }
0x133: {  	[sflag:s19] =	ssyncset.done $0x0  }
0x134: {  	[sflag:s19] =	ssyncadd.s32 $0xFFFFC000  }
0x135: {  	_ =	sfence.sel $0x180000  }
0x136: {  	[bflag:$0x0] =	sbarrier.arrive $0xFFFF  }
0x137: {  	_ =	strace $0x90000047  }
0x138: {  	s0 =	stileid.u32;
	[bflag:$0x2] =	sbarrier.arrive $0xFFFF  }
0x139: {  	p0 =	sne.s32 s0, $0x0;
	s0 =	rddreg [dreg:$0x3]  }
0x13a: {  	s0 =	sadd.s32 @!p0 $0x100000, s0  }
0x13b: {  	[sflag:s0] =	ssyncadd.tile.s32 @!p0 $0x1;
	_ =	shalt  }
.Lfunc_end2:
_tile_overlayer_lowered:
.L_overlay_start_2:
0x13c: {  	(tag) =	ssettag $0x2  }
0x13d: {  	s0 =	rddreg [dreg:$0x0];
	s2 =	stileid.u32  }
0x13e: {  	s1 =	rddreg [dreg:$0x1];
	p0 =	sne.s32 s2, $0x0  }
0x13f: {  	s3 =	rddreg [dreg:$0x2];
	[bflag:$0x3] =	sbarrier.arrive $0xFFFF;
	s2 =	simm.s32 @!p0 $0x1C0B  }
0x140: {  	[timem:s3], [sflag:s2] =	dma.local @!p0 [hbm:s0], s1  }
0x141: {  	s0 =	simm.s32 @!p0 $0xB  }
0x142: {  	_ =	swait.ge @!p0 [sflag:s0], s1  }
0x143: {  	s1 =	ssub.s32 @!p0 $0x0, s1;
	[sflag:s0] =	ssyncset.done @!p0 $0x0  }
0x144: {  	[sflag:s0] =	ssyncadd.s32 @!p0 s1  }
0x145: {  	[bflag:$0x3] =	sbarrier.arrive $0xFFFF  }
0x146: {  	_ =	shalt  }

</sc_bundles>
